<compile_context>
chip_gen: v7x
topology: tpu7x:2x2x1
jax: 0.10.2.dev20260603
libtpu: 0.0.44.dev20260713+nightly
codegen_flags: <defaults>
</compile_context>

<pallas_src>
import functools
import math

import jax
import jax.numpy as jnp
from jax import lax
from jax.experimental import pallas as pl
from jax.experimental.pallas import tpu as pltpu
from jax.experimental.pallas import tpu_sc as plsc

D = 32
SCALE = math.sqrt(float(D))


def _gather_kernel(V, J, I, NC, NW):
    C = 512
    BPW = C // 128
    TPA = (I // 128) * 8 * 128
    assert NW * C == I
    mesh = plsc.VectorSubcoreMesh(core_axis_name="c", subcore_axis_name="s")

    @functools.partial(
        pl.kernel,
        mesh=mesh,
        out_type=jax.ShapeDtypeStruct((J * D * I,), jnp.float32),
        scratch_types=[
            pltpu.VMEM((J, C), jnp.int32),
            pltpu.VMEM((2, C, D), jnp.float32),
            pltpu.VMEM((2, D * C), jnp.float32),
            pltpu.SemaphoreType.DMA,
            pltpu.SemaphoreType.DMA((2,)),
            pltpu.SemaphoreType.DMA((2,)),
        ],
        compiler_params=pltpu.CompilerParams(
            use_tc_tiling_on_sc=False, needs_layout_passes=False),
    )
    def k(idx_hbm, tab_hbm, out_hbm, idx_v, rows_v, stage_v, isem, gsem,
          osem):
        wid = lax.axis_index("s") * NC + lax.axis_index("c")
        iota = lax.iota(jnp.int32, 16)
        pos_lo = (iota // 8) * (BPW * 1024) + (iota % 8) * 128
        pos_hi = ((iota + 16) // 8) * (BPW * 1024) + (iota % 8) * 128

        def start_gather(j, buf):
            pltpu.async_copy(tab_hbm.at[idx_v.at[j]], rows_v.at[buf],
                             gsem.at[buf])

        def wait_gather(j, buf):
            pltpu.make_async_copy(tab_hbm.at[idx_v.at[j]], rows_v.at[buf],
                                  gsem.at[buf]).wait()

        def start_outs(j, buf):
            for a in range(D // 8):
                pltpu.async_copy(
                    stage_v.at[buf].at[pl.ds(a * BPW * 1024, BPW * 1024)],
                    out_hbm.at[pl.ds(j * D * I + a * TPA + wid * BPW * 1024,
                                     BPW * 1024)],
                    osem.at[buf])

        def wait_outs(j, buf):
            for a in range(D // 8):
                pltpu.make_async_copy(
                    stage_v.at[buf].at[pl.ds(a * BPW * 1024, BPW * 1024)],
                    out_hbm.at[pl.ds(j * D * I + a * TPA + wid * BPW * 1024,
                                     BPW * 1024)],
                    osem.at[buf]).wait()

        pltpu.async_copy(idx_hbm.at[:, wid, :], idx_v, isem).wait()
        start_gather(0, 0)

        def gloop(g, carry):
            for b in range(2):
                j = g * 2 + b
                cur = b
                nxt = 1 - b

                @pl.when(j + 1 < J)
                def _():
                    start_gather(j + 1, nxt)

                wait_gather(j, cur)

                @pl.when(g > 0)
                def _():
                    wait_outs(j - 2, cur)

                def block(bb, cb):
                    posb_lo = pos_lo + bb * 1024
                    posb_hi = pos_hi + bb * 1024
                    rbase = bb * 128

                    def row(l, c):
                        r = rbase + l
                        lo = rows_v[cur, r, pl.ds(0, 16)]
                        hi = rows_v[cur, r, pl.ds(16, 16)]
                        plsc.store_scatter(stage_v.at[cur],
                                           [posb_lo + l], lo * SCALE)
                        plsc.store_scatter(stage_v.at[cur],
                                           [posb_hi + l], hi * SCALE)
                        return c

                    lax.fori_loop(0, 128, row, 0, unroll=8)
                    return cb

                lax.fori_loop(0, BPW, block, 0)
                start_outs(j, cur)
            return carry

        lax.fori_loop(0, J // 2, gloop, 0)
        wait_outs(J - 2, 0)
        wait_outs(J - 1, 1)

    return k


def kernel(x, table):
    B0, B1 = x.shape
    V, d = table.shape
    I, J = B0, B1
    info = plsc.get_sparse_core_info()
    NC = info.num_cores
    NW = NC * info.num_subcores
    C = I // NW
    idx = x.T.reshape(J, NW, C).astype(jnp.int32)
    flat = _gather_kernel(V, J, I, NC, NW)(idx, table)
    out5 = flat.reshape(J, d // 8, I // 128, 8, 128)
    return out5.transpose(2, 4, 0, 1, 3).reshape(I, J, d)

# --- scband reference (transcript-rebuilt; emitter-appended) ---
"""Pipeline reference for scband-char-embedding-6725918786011 (READ-ONLY COPY).

The authoritative reference and input builder live on the scoring server;
editing this copy changes nothing except your own understanding.
"""

import jax, jax.numpy as jnp
import numpy as np
import math

VOCAB_SIZE = 1000000
D_MODEL = 32

def setup_inputs(seed: int = 0) -> dict:
    key = jax.random.key(seed)
    k1, k2 = jax.random.split(key)
    x = jax.random.randint(k1, (16384, 50), 0, VOCAB_SIZE, dtype=jnp.int64 if jax.config.jax_enable_x64 else jnp.int32)
    # Keras Embedding default init: uniform(-0.05, 0.05)
    table = jax.random.uniform(k2, (VOCAB_SIZE, D_MODEL), dtype=jnp.float32, minval=-0.05, maxval=0.05)
    return {"x": x, "table": table}

def reference(x, table):
    # CharEmbedding.call: sqrt(d_model) * embedding(x)
    emb = jnp.take(table, x, axis=0)
    return math.sqrt(D_MODEL) * emb

if __name__ == "__main__":
    import jax
    _d = setup_inputs()
    print(jax.jit(kernel)(*tuple(_d.values())))

</pallas_src>

<mosaic_0001>
#map = affine_map<(d0, d1) -> (0, 0, 0)>
#map1 = affine_map<(d0, d1) -> (0, 0)>
#map2 = affine_map<(d0, d1) -> (0)>
module attributes {stable_mosaic.version = 14 : i64} {
  func.func @k(%arg0: i32, %arg1: i32, %arg2: memref<50x32x512xi32, #tpu.memory_space<hbm>>, %arg3: memref<1000000x32xf32, #tpu.memory_space<hbm>>, %arg4: memref<26214400xf32, #tpu.memory_space<hbm>>, %arg5: memref<50x512xi32, #tpu.memory_space<vmem>>, %arg6: memref<2x512x32xf32, #tpu.memory_space<vmem>>, %arg7: memref<2x16384xf32, #tpu.memory_space<vmem>>, %arg8: memref<!tpu.dma_semaphore, #tpu.memory_space<semaphore_mem>>, %arg9: memref<2x!tpu.dma_semaphore, #tpu.memory_space<semaphore_mem>>, %arg10: memref<2x!tpu.dma_semaphore, #tpu.memory_space<semaphore_mem>>) attributes {dimension_semantics = [#tpu.dimension_semantics<core_parallel>, #tpu.dimension_semantics<subcore_parallel>], iteration_bounds = array<i64: 2, 16>, scalar_prefetch = 0 : i64, scratch_operands = 6 : i64, tpu.core_type = #tpu.core_type<sc_vector_subcore>, window_params = [{transform_indices = #map}, {transform_indices = #map1}, {transform_indices = #map2}]} {
    %mul3A = arith.constant 2 : i32
    %mul3A_0 = arith.muli %arg1, %mul3A : i32
    %add3A = arith.addi %mul3A_0, %arg0 : i32
    %iota3A = tpu.iota {dimensions = array<i32: 0>} : vector<16xi32>
    %jit3A = arith.constant 8 : i32
    %div3A = vector.broadcast %jit3A : i32 to vector<16xi32>
    %div3A_1 = arith.divsi %iota3A, %div3A : vector<16xi32>
    %sign3A = arith.constant 0 : i32
    %sign3A_2 = vector.broadcast %sign3A : i32 to vector<16xi32>
    %sign3A_3 = arith.cmpi sgt, %iota3A, %sign3A_2 : vector<16xi32>
    %sign3A_4 = arith.extui %sign3A_3 : vector<16xi1> to vector<16xi32>
    %sign3A_5 = arith.constant 0 : i32
    %sign3A_6 = vector.broadcast %sign3A_5 : i32 to vector<16xi32>
    %sign3A_7 = arith.cmpi slt, %iota3A, %sign3A_6 : vector<16xi32>
    %sign3A_8 = arith.extui %sign3A_7 : vector<16xi1> to vector<16xi32>
    %sign3A_9 = arith.subi %sign3A_4, %sign3A_8 : vector<16xi32>
    %sign3A_10 = arith.constant 0 : i32
    %sign3A_11 = arith.cmpi sgt, %jit3A, %sign3A_10 : i32
    %sign3A_12 = arith.extui %sign3A_11 : i1 to i32
    %sign3A_13 = arith.constant 0 : i32
    %sign3A_14 = arith.cmpi slt, %jit3A, %sign3A_13 : i32
    %sign3A_15 = arith.extui %sign3A_14 : i1 to i32
    %sign3A_16 = arith.subi %sign3A_12, %sign3A_15 : i32
    %ne3A = vector.broadcast %sign3A_16 : i32 to vector<16xi32>
    %ne3A_17 = arith.cmpi ne, %sign3A_9, %ne3A : vector<16xi32>
    %rem3A = vector.broadcast %jit3A : i32 to vector<16xi32>
    %rem3A_18 = arith.remsi %iota3A, %rem3A : vector<16xi32>
    %ne3A_19 = arith.constant 0 : i32
    %ne3A_20 = vector.broadcast %ne3A_19 : i32 to vector<16xi32>
    %ne3A_21 = arith.cmpi ne, %rem3A_18, %ne3A_20 : vector<16xi32>
    %and3A = arith.andi %ne3A_17, %ne3A_21 : vector<16xi1>
    %sub3A = arith.constant 1 : i32
    %sub3A_22 = vector.broadcast %sub3A : i32 to vector<16xi32>
    %sub3A_23 = arith.subi %div3A_1, %sub3A_22 : vector<16xi32>
    %select_n3A = arith.select %and3A, %sub3A_23, %div3A_1 : vector<16xi1>, vector<16xi32>
    %mul3A_24 = arith.constant 4096 : i32
    %mul3A_25 = vector.broadcast %mul3A_24 : i32 to vector<16xi32>
    %mul3A_26 = arith.muli %select_n3A, %mul3A_25 : vector<16xi32>
    %jit3A_27 = arith.constant 8 : i32
    %eq3A = arith.constant 0 : i32
    %eq3A_28 = arith.cmpi eq, %jit3A_27, %eq3A : i32
    %jit3A_29 = arith.constant 1 : i32
    %select_n3A_30 = arith.select %eq3A_28, %jit3A_29, %jit3A_27 : i32
    %rem3A_31 = vector.broadcast %select_n3A_30 : i32 to vector<16xi32>
    %rem3A_32 = arith.remsi %iota3A, %rem3A_31 : vector<16xi32>
    %ne3A_33 = arith.constant 0 : i32
    %ne3A_34 = vector.broadcast %ne3A_33 : i32 to vector<16xi32>
    %ne3A_35 = arith.cmpi ne, %rem3A_32, %ne3A_34 : vector<16xi32>
    %lt3A = arith.constant 0 : i32
    %lt3A_36 = vector.broadcast %lt3A : i32 to vector<16xi32>
    %lt3A_37 = arith.cmpi slt, %rem3A_32, %lt3A_36 : vector<16xi32>
    %lt3A_38 = arith.constant 0 : i32
    %lt3A_39 = arith.cmpi slt, %select_n3A_30, %lt3A_38 : i32
    %ne3A_40 = vector.broadcast %lt3A_39 : i1 to vector<16xi1>
    %ne3A_41 = vector.broadcast %ne3A_40 : vector<16xi1> to vector<16xi1>
    %ne3A_42 = arith.xori %lt3A_37, %ne3A_41 : vector<16xi1>
    %and3A_43 = arith.andi %ne3A_42, %ne3A_35 : vector<16xi1>
    %add3A_44 = vector.broadcast %select_n3A_30 : i32 to vector<16xi32>
    %add3A_45 = arith.addi %rem3A_32, %add3A_44 : vector<16xi32>
    %select_n3A_46 = arith.select %and3A_43, %add3A_45, %rem3A_32 : vector<16xi1>, vector<16xi32>
    %mul3A_47 = arith.constant 128 : i32
    %mul3A_48 = vector.broadcast %mul3A_47 : i32 to vector<16xi32>
    %mul3A_49 = arith.muli %select_n3A_46, %mul3A_48 : vector<16xi32>
    %add3A_50 = arith.addi %mul3A_26, %mul3A_49 : vector<16xi32>
    %add3A_51 = arith.constant 16 : i32
    %add3A_52 = vector.broadcast %add3A_51 : i32 to vector<16xi32>
    %add3A_53 = arith.addi %iota3A, %add3A_52 : vector<16xi32>
    %jit3A_54 = arith.constant 8 : i32
    %div3A_55 = vector.broadcast %jit3A_54 : i32 to vector<16xi32>
    %div3A_56 = arith.divsi %add3A_53, %div3A_55 : vector<16xi32>
    %sign3A_57 = arith.constant 0 : i32
    %sign3A_58 = vector.broadcast %sign3A_57 : i32 to vector<16xi32>
    %sign3A_59 = arith.cmpi sgt, %add3A_53, %sign3A_58 : vector<16xi32>
    %sign3A_60 = arith.extui %sign3A_59 : vector<16xi1> to vector<16xi32>
    %sign3A_61 = arith.constant 0 : i32
    %sign3A_62 = vector.broadcast %sign3A_61 : i32 to vector<16xi32>
    %sign3A_63 = arith.cmpi slt, %add3A_53, %sign3A_62 : vector<16xi32>
    %sign3A_64 = arith.extui %sign3A_63 : vector<16xi1> to vector<16xi32>
    %sign3A_65 = arith.subi %sign3A_60, %sign3A_64 : vector<16xi32>
    %sign3A_66 = arith.constant 0 : i32
    %sign3A_67 = arith.cmpi sgt, %jit3A_54, %sign3A_66 : i32
    %sign3A_68 = arith.extui %sign3A_67 : i1 to i32
    %sign3A_69 = arith.constant 0 : i32
    %sign3A_70 = arith.cmpi slt, %jit3A_54, %sign3A_69 : i32
    %sign3A_71 = arith.extui %sign3A_70 : i1 to i32
    %sign3A_72 = arith.subi %sign3A_68, %sign3A_71 : i32
    %ne3A_73 = vector.broadcast %sign3A_72 : i32 to vector<16xi32>
    %ne3A_74 = arith.cmpi ne, %sign3A_65, %ne3A_73 : vector<16xi32>
    %rem3A_75 = vector.broadcast %jit3A_54 : i32 to vector<16xi32>
    %rem3A_76 = arith.remsi %add3A_53, %rem3A_75 : vector<16xi32>
    %ne3A_77 = arith.constant 0 : i32
    %ne3A_78 = vector.broadcast %ne3A_77 : i32 to vector<16xi32>
    %ne3A_79 = arith.cmpi ne, %rem3A_76, %ne3A_78 : vector<16xi32>
    %and3A_80 = arith.andi %ne3A_74, %ne3A_79 : vector<16xi1>
    %sub3A_81 = arith.constant 1 : i32
    %sub3A_82 = vector.broadcast %sub3A_81 : i32 to vector<16xi32>
    %sub3A_83 = arith.subi %div3A_56, %sub3A_82 : vector<16xi32>
    %select_n3A_84 = arith.select %and3A_80, %sub3A_83, %div3A_56 : vector<16xi1>, vector<16xi32>
    %mul3A_85 = arith.constant 4096 : i32
    %mul3A_86 = vector.broadcast %mul3A_85 : i32 to vector<16xi32>
    %mul3A_87 = arith.muli %select_n3A_84, %mul3A_86 : vector<16xi32>
    %jit3A_88 = arith.constant 8 : i32
    %eq3A_89 = arith.constant 0 : i32
    %eq3A_90 = arith.cmpi eq, %jit3A_88, %eq3A_89 : i32
    %jit3A_91 = arith.constant 1 : i32
    %select_n3A_92 = arith.select %eq3A_90, %jit3A_91, %jit3A_88 : i32
    %rem3A_93 = vector.broadcast %select_n3A_92 : i32 to vector<16xi32>
    %rem3A_94 = arith.remsi %iota3A, %rem3A_93 : vector<16xi32>
    %ne3A_95 = arith.constant 0 : i32
    %ne3A_96 = vector.broadcast %ne3A_95 : i32 to vector<16xi32>
    %ne3A_97 = arith.cmpi ne, %rem3A_94, %ne3A_96 : vector<16xi32>
    %lt3A_98 = arith.constant 0 : i32
    %lt3A_99 = vector.broadcast %lt3A_98 : i32 to vector<16xi32>
    %lt3A_100 = arith.cmpi slt, %rem3A_94, %lt3A_99 : vector<16xi32>
    %lt3A_101 = arith.constant 0 : i32
    %lt3A_102 = arith.cmpi slt, %select_n3A_92, %lt3A_101 : i32
    %ne3A_103 = vector.broadcast %lt3A_102 : i1 to vector<16xi1>
    %ne3A_104 = vector.broadcast %ne3A_103 : vector<16xi1> to vector<16xi1>
    %ne3A_105 = arith.xori %lt3A_100, %ne3A_104 : vector<16xi1>
    %and3A_106 = arith.andi %ne3A_105, %ne3A_97 : vector<16xi1>
    %add3A_107 = vector.broadcast %select_n3A_92 : i32 to vector<16xi32>
    %add3A_108 = arith.addi %rem3A_94, %add3A_107 : vector<16xi32>
    %select_n3A_109 = arith.select %and3A_106, %add3A_108, %rem3A_94 : vector<16xi1>, vector<16xi32>
    %mul3A_110 = arith.constant 128 : i32
    %mul3A_111 = vector.broadcast %mul3A_110 : i32 to vector<16xi32>
    %mul3A_112 = arith.muli %select_n3A_109, %mul3A_111 : vector<16xi32>
    %add3A_113 = arith.addi %mul3A_87, %mul3A_112 : vector<16xi32>
    %dma_start3A = arith.constant 0 : i32
    %dma_start3A_114 = arith.constant 0 : i32
    %dma_start3A_115 = tpu.memref_slice %arg2[%dma_start3A, %add3A, %dma_start3A_114] : memref<50x32x512xi32, #tpu.memory_space<hbm>> -> memref<50x1x512xi32, #tpu.memory_space<hbm>>
    %dma_start3A_116 = tpu.memref_squeeze %dma_start3A_115 : memref<50x1x512xi32, #tpu.memory_space<hbm>> -> memref<50x512xi32, #tpu.memory_space<hbm>>
    %dma_start3A_117 = arith.constant 0 : i32
    %dma_start3A_118 = arith.constant 0 : i32
    %dma_start3A_119 = tpu.memref_slice %arg2[%dma_start3A_117, %add3A, %dma_start3A_118] : memref<50x32x512xi32, #tpu.memory_space<hbm>> -> memref<50x1x512xi32, #tpu.memory_space<hbm>>
    %dma_start3A_120 = tpu.memref_squeeze %dma_start3A_119 : memref<50x1x512xi32, #tpu.memory_space<hbm>> -> memref<50x512xi32, #tpu.memory_space<hbm>>
    tpu.enqueue_dma source(%dma_start3A_120 : memref<50x512xi32, #tpu.memory_space<hbm>>) target(%arg5 : memref<50x512xi32, #tpu.memory_space<vmem>>) target_semaphore(%arg8 : memref<!tpu.dma_semaphore, #tpu.memory_space<semaphore_mem>>)
    %dma_wait3A = arith.constant 0 : i32
    %dma_wait3A_121 = arith.constant 0 : i32
    %dma_wait3A_122 = tpu.memref_slice %arg2[%dma_wait3A, %add3A, %dma_wait3A_121] : memref<50x32x512xi32, #tpu.memory_space<hbm>> -> memref<50x1x512xi32, #tpu.memory_space<hbm>>
    %dma_wait3A_123 = tpu.memref_squeeze %dma_wait3A_122 : memref<50x1x512xi32, #tpu.memory_space<hbm>> -> memref<50x512xi32, #tpu.memory_space<hbm>>
    %dma_wait3A_124 = arith.constant 0 : i32
    %dma_wait3A_125 = arith.constant 0 : i32
    %dma_wait3A_126 = tpu.memref_slice %arg2[%dma_wait3A_124, %add3A, %dma_wait3A_125] : memref<50x32x512xi32, #tpu.memory_space<hbm>> -> memref<50x1x512xi32, #tpu.memory_space<hbm>>
    %dma_wait3A_127 = tpu.memref_squeeze %dma_wait3A_126 : memref<50x1x512xi32, #tpu.memory_space<hbm>> -> memref<50x512xi32, #tpu.memory_space<hbm>>
    tpu.wait_dma2 semaphore(%arg8 : memref<!tpu.dma_semaphore, #tpu.memory_space<semaphore_mem>>) src(%dma_wait3A_127 : memref<50x512xi32, #tpu.memory_space<hbm>>) dst(%arg5 : memref<50x512xi32, #tpu.memory_space<vmem>>)
    %dma_start3A_128 = arith.constant 0 : i32
    %dma_start3A_129 = arith.constant 0 : i32
    %dma_start3A_130 = arith.constant 0 : i32
    %dma_start3A_131 = arith.constant 0 : i32
    %dma_start3A_132 = arith.constant 0 : i32
    %dma_start3A_133 = tpu.memref_slice %arg6[%dma_start3A_129, %dma_start3A_131, %dma_start3A_132] : memref<2x512x32xf32, #tpu.memory_space<vmem>> -> memref<1x512x32xf32, #tpu.memory_space<vmem>>
    %dma_start3A_134 = tpu.memref_squeeze %dma_start3A_133 : memref<1x512x32xf32, #tpu.memory_space<vmem>> -> memref<512x32xf32, #tpu.memory_space<vmem>>
    %dma_start3A_135 = arith.constant 0 : i32
    %dma_start3A_136 = tpu.memref_slice %arg5[%dma_start3A_128, %dma_start3A_135] : memref<50x512xi32, #tpu.memory_space<vmem>> -> memref<1x512xi32, #tpu.memory_space<vmem>>
    %dma_start3A_137 = tpu.memref_squeeze %dma_start3A_136 : memref<1x512xi32, #tpu.memory_space<vmem>> -> memref<512xi32, #tpu.memory_space<vmem>>
    %dma_start3A_138 = arith.constant 0 : i32
    %dma_start3A_139 = arith.constant 0 : i32
    %dma_start3A_140 = tpu.memref_slice %arg3[%dma_start3A_138, %dma_start3A_139] : memref<1000000x32xf32, #tpu.memory_space<hbm>> -> memref<1000000x32xf32, #tpu.memory_space<hbm>>
    %dma_start3A_141 = tpu.memref_slice %arg9[%dma_start3A_130] : memref<2x!tpu.dma_semaphore, #tpu.memory_space<semaphore_mem>> -> memref<1x!tpu.dma_semaphore, #tpu.memory_space<semaphore_mem>>
    %dma_start3A_142 = tpu.memref_squeeze %dma_start3A_141 : memref<1x!tpu.dma_semaphore, #tpu.memory_space<semaphore_mem>> -> memref<!tpu.dma_semaphore, #tpu.memory_space<semaphore_mem>>
    tpu.enqueue_indirect_dma source(%dma_start3A_140 : memref<1000000x32xf32, #tpu.memory_space<hbm>>) target(%dma_start3A_134 : memref<512x32xf32, #tpu.memory_space<vmem>>) offsets(%dma_start3A_137 : memref<512xi32, #tpu.memory_space<vmem>>) semaphore(%dma_start3A_142 : memref<!tpu.dma_semaphore, #tpu.memory_space<semaphore_mem>>)
    %scan3A = arith.constant 0 : i32
    %scan3A_143 = arith.constant 0 : i32
    %scan3A_144 = arith.constant 25 : i32
    %scan3A_145 = arith.addi %scan3A_143, %scan3A_144 : i32
    %scan3A_146 = arith.constant 1 : i32
    scf.for %scan3A_324 = %scan3A_143 to %scan3A_145 step %scan3A_146  : i32 {
      %mul3A_325 = arith.constant 2 : i32
      %mul3A_326 = arith.muli %scan3A_324, %mul3A_325 : i32
      %add3A_327 = arith.constant 0 : i32
      %add3A_328 = arith.addi %mul3A_326, %add3A_327 : i32
      %add3A_329 = arith.constant 1 : i32
      %add3A_330 = arith.addi %add3A_328, %add3A_329 : i32
      %lt3A_331 = arith.constant 50 : i32
      %lt3A_332 = arith.cmpi slt, %add3A_330, %lt3A_331 : i32
      %convert_element_type3A = arith.extui %lt3A_332 : i1 to i32
      %cond3A = arith.constant 0 : i32
      %cond3A_333 = arith.cmpi ne, %convert_element_type3A, %cond3A : i32
      scf.if %cond3A_333 {
        %add3A_610 = arith.constant 1 : i32
        %add3A_611 = arith.addi %add3A_328, %add3A_610 : i32
        %dma_start3A_612 = arith.constant 1 : i32
        %dma_start3A_613 = arith.constant 1 : i32
        %dma_start3A_614 = arith.constant 0 : i32
        %dma_start3A_615 = arith.constant 0 : i32
        %dma_start3A_616 = tpu.memref_slice %arg6[%dma_start3A_612, %dma_start3A_614, %dma_start3A_615] : memref<2x512x32xf32, #tpu.memory_space<vmem>> -> memref<1x512x32xf32, #tpu.memory_space<vmem>>
        %dma_start3A_617 = tpu.memref_squeeze %dma_start3A_616 : memref<1x512x32xf32, #tpu.memory_space<vmem>> -> memref<512x32xf32, #tpu.memory_space<vmem>>
        %dma_start3A_618 = arith.constant 0 : i32
        %dma_start3A_619 = tpu.memref_slice %arg5[%add3A_611, %dma_start3A_618] : memref<50x512xi32, #tpu.memory_space<vmem>> -> memref<1x512xi32, #tpu.memory_space<vmem>>
        %dma_start3A_620 = tpu.memref_squeeze %dma_start3A_619 : memref<1x512xi32, #tpu.memory_space<vmem>> -> memref<512xi32, #tpu.memory_space<vmem>>
        %dma_start3A_621 = arith.constant 0 : i32
        %dma_start3A_622 = arith.constant 0 : i32
        %dma_start3A_623 = tpu.memref_slice %arg3[%dma_start3A_621, %dma_start3A_622] : memref<1000000x32xf32, #tpu.memory_space<hbm>> -> memref<1000000x32xf32, #tpu.memory_space<hbm>>
        %dma_start3A_624 = tpu.memref_slice %arg9[%dma_start3A_613] : memref<2x!tpu.dma_semaphore, #tpu.memory_space<semaphore_mem>> -> memref<1x!tpu.dma_semaphore, #tpu.memory_space<semaphore_mem>>
        %dma_start3A_625 = tpu.memref_squeeze %dma_start3A_624 : memref<1x!tpu.dma_semaphore, #tpu.memory_space<semaphore_mem>> -> memref<!tpu.dma_semaphore, #tpu.memory_space<semaphore_mem>>
        tpu.enqueue_indirect_dma source(%dma_start3A_623 : memref<1000000x32xf32, #tpu.memory_space<hbm>>) target(%dma_start3A_617 : memref<512x32xf32, #tpu.memory_space<vmem>>) offsets(%dma_start3A_620 : memref<512xi32, #tpu.memory_space<vmem>>) semaphore(%dma_start3A_625 : memref<!tpu.dma_semaphore, #tpu.memory_space<semaphore_mem>>)
      } else {
      }
      %dma_wait3A_334 = arith.constant 0 : i32
      %dma_wait3A_335 = arith.constant 0 : i32
      %dma_wait3A_336 = arith.constant 0 : i32
      %dma_wait3A_337 = arith.constant 0 : i32
      %dma_wait3A_338 = tpu.memref_slice %arg6[%dma_wait3A_334, %dma_wait3A_336, %dma_wait3A_337] : memref<2x512x32xf32, #tpu.memory_space<vmem>> -> memref<1x512x32xf32, #tpu.memory_space<vmem>>
      %dma_wait3A_339 = tpu.memref_squeeze %dma_wait3A_338 : memref<1x512x32xf32, #tpu.memory_space<vmem>> -> memref<512x32xf32, #tpu.memory_space<vmem>>
      %dma_wait3A_340 = arith.constant 0 : i32
      %dma_wait3A_341 = tpu.memref_slice %arg5[%add3A_328, %dma_wait3A_340] : memref<50x512xi32, #tpu.memory_space<vmem>> -> memref<1x512xi32, #tpu.memory_space<vmem>>
      %dma_wait3A_342 = tpu.memref_squeeze %dma_wait3A_341 : memref<1x512xi32, #tpu.memory_space<vmem>> -> memref<512xi32, #tpu.memory_space<vmem>>
      %dma_wait3A_343 = arith.constant 0 : i32
      %dma_wait3A_344 = arith.constant 0 : i32
      %dma_wait3A_345 = tpu.memref_slice %arg3[%dma_wait3A_343, %dma_wait3A_344] : memref<1000000x32xf32, #tpu.memory_space<hbm>> -> memref<1000000x32xf32, #tpu.memory_space<hbm>>
      %dma_wait3A_346 = tpu.memref_slice %arg9[%dma_wait3A_335] : memref<2x!tpu.dma_semaphore, #tpu.memory_space<semaphore_mem>> -> memref<1x!tpu.dma_semaphore, #tpu.memory_space<semaphore_mem>>
      %dma_wait3A_347 = tpu.memref_squeeze %dma_wait3A_346 : memref<1x!tpu.dma_semaphore, #tpu.memory_space<semaphore_mem>> -> memref<!tpu.dma_semaphore, #tpu.memory_space<semaphore_mem>>
      tpu.wait_indirect_dma semaphore(%dma_wait3A_347 : memref<!tpu.dma_semaphore, #tpu.memory_space<semaphore_mem>>) src(%dma_wait3A_345 : memref<1000000x32xf32, #tpu.memory_space<hbm>>) dst(%dma_wait3A_339 : memref<512x32xf32, #tpu.memory_space<vmem>>)
      %gt3A = arith.constant 0 : i32
      %gt3A_348 = arith.cmpi sgt, %scan3A_324, %gt3A : i32
      %convert_element_type3A_349 = arith.extui %gt3A_348 : i1 to i32
      %cond3A_350 = arith.constant 0 : i32
      %cond3A_351 = arith.cmpi ne, %convert_element_type3A_349, %cond3A_350 : i32
      scf.if %cond3A_351 {
        %sub3A_610 = arith.constant 2 : i32
        %sub3A_611 = arith.subi %add3A_328, %sub3A_610 : i32
        %mul3A_612 = arith.constant 32 : i32
        %mul3A_613 = arith.muli %sub3A_611, %mul3A_612 : i32
        %mul3A_614 = arith.constant 16384 : i32
        %mul3A_615 = arith.muli %mul3A_613, %mul3A_614 : i32
        %add3A_616 = arith.constant 0 : i32
        %add3A_617 = arith.addi %mul3A_615, %add3A_616 : i32
        %mul3A_618 = arith.constant 4 : i32
        %mul3A_619 = arith.muli %add3A, %mul3A_618 : i32
        %mul3A_620 = arith.constant 1024 : i32
        %mul3A_621 = arith.muli %mul3A_619, %mul3A_620 : i32
        %add3A_622 = arith.addi %add3A_617, %mul3A_621 : i32
        %dma_wait3A_623 = arith.constant 0 : i32
        %dma_wait3A_624 = arith.constant 0 : i32
        %dma_wait3A_625 = arith.constant 0 : i32
        %dma_wait3A_626 = tpu.memref_slice %arg7[%dma_wait3A_623, %dma_wait3A_625] : memref<2x16384xf32, #tpu.memory_space<vmem>> -> memref<1x16384xf32, #tpu.memory_space<vmem>>
        %dma_wait3A_627 = tpu.memref_squeeze %dma_wait3A_626 : memref<1x16384xf32, #tpu.memory_space<vmem>> -> memref<16384xf32, #tpu.memory_space<vmem>>
        %dma_wait3A_628 = arith.constant 0 : i32
        %dma_wait3A_629 = tpu.memref_slice %dma_wait3A_627[%dma_wait3A_628] : memref<16384xf32, #tpu.memory_space<vmem>> -> memref<4096xf32, #tpu.memory_space<vmem>>
        %dma_wait3A_630 = tpu.memref_slice %arg4[%add3A_622] : memref<26214400xf32, #tpu.memory_space<hbm>> -> memref<4096xf32, #tpu.memory_space<hbm>>
        %dma_wait3A_631 = tpu.memref_slice %arg10[%dma_wait3A_624] : memref<2x!tpu.dma_semaphore, #tpu.memory_space<semaphore_mem>> -> memref<1x!tpu.dma_semaphore, #tpu.memory_space<semaphore_mem>>
        %dma_wait3A_632 = tpu.memref_squeeze %dma_wait3A_631 : memref<1x!tpu.dma_semaphore, #tpu.memory_space<semaphore_mem>> -> memref<!tpu.dma_semaphore, #tpu.memory_space<semaphore_mem>>
        %dma_wait3A_633 = tpu.memref_slice %arg4[%add3A_622] : memref<26214400xf32, #tpu.memory_space<hbm>> -> memref<4096xf32, #tpu.memory_space<hbm>>
        %dma_wait3A_634 = arith.constant 0 : i32
        %dma_wait3A_635 = tpu.memref_slice %arg7[%dma_wait3A_623, %dma_wait3A_634] : memref<2x16384xf32, #tpu.memory_space<vmem>> -> memref<1x16384xf32, #tpu.memory_space<vmem>>
        %dma_wait3A_636 = tpu.memref_squeeze %dma_wait3A_635 : memref<1x16384xf32, #tpu.memory_space<vmem>> -> memref<16384xf32, #tpu.memory_space<vmem>>
        %dma_wait3A_637 = arith.constant 0 : i32
        %dma_wait3A_638 = tpu.memref_slice %dma_wait3A_636[%dma_wait3A_637] : memref<16384xf32, #tpu.memory_space<vmem>> -> memref<4096xf32, #tpu.memory_space<vmem>>
        tpu.wait_dma2 semaphore(%dma_wait3A_632 : memref<!tpu.dma_semaphore, #tpu.memory_space<semaphore_mem>>) src(%dma_wait3A_638 : memref<4096xf32, #tpu.memory_space<vmem>>) dst(%dma_wait3A_633 : memref<4096xf32, #tpu.memory_space<hbm>>)
        %mul3A_639 = arith.constant 32 : i32
        %mul3A_640 = arith.muli %sub3A_611, %mul3A_639 : i32
        %mul3A_641 = arith.constant 16384 : i32
        %mul3A_642 = arith.muli %mul3A_640, %mul3A_641 : i32
        %add3A_643 = arith.constant 131072 : i32
        %add3A_644 = arith.addi %mul3A_642, %add3A_643 : i32
        %mul3A_645 = arith.constant 4 : i32
        %mul3A_646 = arith.muli %add3A, %mul3A_645 : i32
        %mul3A_647 = arith.constant 1024 : i32
        %mul3A_648 = arith.muli %mul3A_646, %mul3A_647 : i32
        %add3A_649 = arith.addi %add3A_644, %mul3A_648 : i32
        %dma_wait3A_650 = arith.constant 0 : i32
        %dma_wait3A_651 = arith.constant 0 : i32
        %dma_wait3A_652 = arith.constant 0 : i32
        %dma_wait3A_653 = tpu.memref_slice %arg7[%dma_wait3A_650, %dma_wait3A_652] : memref<2x16384xf32, #tpu.memory_space<vmem>> -> memref<1x16384xf32, #tpu.memory_space<vmem>>
        %dma_wait3A_654 = tpu.memref_squeeze %dma_wait3A_653 : memref<1x16384xf32, #tpu.memory_space<vmem>> -> memref<16384xf32, #tpu.memory_space<vmem>>
        %dma_wait3A_655 = arith.constant 4096 : i32
        %dma_wait3A_656 = tpu.memref_slice %dma_wait3A_654[%dma_wait3A_655] : memref<16384xf32, #tpu.memory_space<vmem>> -> memref<4096xf32, #tpu.memory_space<vmem>>
        %dma_wait3A_657 = tpu.memref_slice %arg4[%add3A_649] : memref<26214400xf32, #tpu.memory_space<hbm>> -> memref<4096xf32, #tpu.memory_space<hbm>>
        %dma_wait3A_658 = tpu.memref_slice %arg10[%dma_wait3A_651] : memref<2x!tpu.dma_semaphore, #tpu.memory_space<semaphore_mem>> -> memref<1x!tpu.dma_semaphore, #tpu.memory_space<semaphore_mem>>
        %dma_wait3A_659 = tpu.memref_squeeze %dma_wait3A_658 : memref<1x!tpu.dma_semaphore, #tpu.memory_space<semaphore_mem>> -> memref<!tpu.dma_semaphore, #tpu.memory_space<semaphore_mem>>
        %dma_wait3A_660 = tpu.memref_slice %arg4[%add3A_649] : memref<26214400xf32, #tpu.memory_space<hbm>> -> memref<4096xf32, #tpu.memory_space<hbm>>
        %dma_wait3A_661 = arith.constant 0 : i32
        %dma_wait3A_662 = tpu.memref_slice %arg7[%dma_wait3A_650, %dma_wait3A_661] : memref<2x16384xf32, #tpu.memory_space<vmem>> -> memref<1x16384xf32, #tpu.memory_space<vmem>>
        %dma_wait3A_663 = tpu.memref_squeeze %dma_wait3A_662 : memref<1x16384xf32, #tpu.memory_space<vmem>> -> memref<16384xf32, #tpu.memory_space<vmem>>
        %dma_wait3A_664 = arith.constant 4096 : i32
        %dma_wait3A_665 = tpu.memref_slice %dma_wait3A_663[%dma_wait3A_664] : memref<16384xf32, #tpu.memory_space<vmem>> -> memref<4096xf32, #tpu.memory_space<vmem>>
        tpu.wait_dma2 semaphore(%dma_wait3A_659 : memref<!tpu.dma_semaphore, #tpu.memory_space<semaphore_mem>>) src(%dma_wait3A_665 : memref<4096xf32, #tpu.memory_space<vmem>>) dst(%dma_wait3A_660 : memref<4096xf32, #tpu.memory_space<hbm>>)
        %mul3A_666 = arith.constant 32 : i32
        %mul3A_667 = arith.muli %sub3A_611, %mul3A_666 : i32
        %mul3A_668 = arith.constant 16384 : i32
        %mul3A_669 = arith.muli %mul3A_667, %mul3A_668 : i32
        %add3A_670 = arith.constant 262144 : i32
        %add3A_671 = arith.addi %mul3A_669, %add3A_670 : i32
        %mul3A_672 = arith.constant 4 : i32
        %mul3A_673 = arith.muli %add3A, %mul3A_672 : i32
        %mul3A_674 = arith.constant 1024 : i32
        %mul3A_675 = arith.muli %mul3A_673, %mul3A_674 : i32
        %add3A_676 = arith.addi %add3A_671, %mul3A_675 : i32
        %dma_wait3A_677 = arith.constant 0 : i32
        %dma_wait3A_678 = arith.constant 0 : i32
        %dma_wait3A_679 = arith.constant 0 : i32
        %dma_wait3A_680 = tpu.memref_slice %arg7[%dma_wait3A_677, %dma_wait3A_679] : memref<2x16384xf32, #tpu.memory_space<vmem>> -> memref<1x16384xf32, #tpu.memory_space<vmem>>
        %dma_wait3A_681 = tpu.memref_squeeze %dma_wait3A_680 : memref<1x16384xf32, #tpu.memory_space<vmem>> -> memref<16384xf32, #tpu.memory_space<vmem>>
        %dma_wait3A_682 = arith.constant 8192 : i32
        %dma_wait3A_683 = tpu.memref_slice %dma_wait3A_681[%dma_wait3A_682] : memref<16384xf32, #tpu.memory_space<vmem>> -> memref<4096xf32, #tpu.memory_space<vmem>>
        %dma_wait3A_684 = tpu.memref_slice %arg4[%add3A_676] : memref<26214400xf32, #tpu.memory_space<hbm>> -> memref<4096xf32, #tpu.memory_space<hbm>>
        %dma_wait3A_685 = tpu.memref_slice %arg10[%dma_wait3A_678] : memref<2x!tpu.dma_semaphore, #tpu.memory_space<semaphore_mem>> -> memref<1x!tpu.dma_semaphore, #tpu.memory_space<semaphore_mem>>
        %dma_wait3A_686 = tpu.memref_squeeze %dma_wait3A_685 : memref<1x!tpu.dma_semaphore, #tpu.memory_space<semaphore_mem>> -> memref<!tpu.dma_semaphore, #tpu.memory_space<semaphore_mem>>
        %dma_wait3A_687 = tpu.memref_slice %arg4[%add3A_676] : memref<26214400xf32, #tpu.memory_space<hbm>> -> memref<4096xf32, #tpu.memory_space<hbm>>
        %dma_wait3A_688 = arith.constant 0 : i32
        %dma_wait3A_689 = tpu.memref_slice %arg7[%dma_wait3A_677, %dma_wait3A_688] : memref<2x16384xf32, #tpu.memory_space<vmem>> -> memref<1x16384xf32, #tpu.memory_space<vmem>>
        %dma_wait3A_690 = tpu.memref_squeeze %dma_wait3A_689 : memref<1x16384xf32, #tpu.memory_space<vmem>> -> memref<16384xf32, #tpu.memory_space<vmem>>
        %dma_wait3A_691 = arith.constant 8192 : i32
        %dma_wait3A_692 = tpu.memref_slice %dma_wait3A_690[%dma_wait3A_691] : memref<16384xf32, #tpu.memory_space<vmem>> -> memref<4096xf32, #tpu.memory_space<vmem>>
        tpu.wait_dma2 semaphore(%dma_wait3A_686 : memref<!tpu.dma_semaphore, #tpu.memory_space<semaphore_mem>>) src(%dma_wait3A_692 : memref<4096xf32, #tpu.memory_space<vmem>>) dst(%dma_wait3A_687 : memref<4096xf32, #tpu.memory_space<hbm>>)
        %mul3A_693 = arith.constant 32 : i32
        %mul3A_694 = arith.muli %sub3A_611, %mul3A_693 : i32
        %mul3A_695 = arith.constant 16384 : i32
        %mul3A_696 = arith.muli %mul3A_694, %mul3A_695 : i32
        %add3A_697 = arith.constant 393216 : i32
        %add3A_698 = arith.addi %mul3A_696, %add3A_697 : i32
        %mul3A_699 = arith.constant 4 : i32
        %mul3A_700 = arith.muli %add3A, %mul3A_699 : i32
        %mul3A_701 = arith.constant 1024 : i32
        %mul3A_702 = arith.muli %mul3A_700, %mul3A_701 : i32
        %add3A_703 = arith.addi %add3A_698, %mul3A_702 : i32
        %dma_wait3A_704 = arith.constant 0 : i32
        %dma_wait3A_705 = arith.constant 0 : i32
        %dma_wait3A_706 = arith.constant 0 : i32
        %dma_wait3A_707 = tpu.memref_slice %arg7[%dma_wait3A_704, %dma_wait3A_706] : memref<2x16384xf32, #tpu.memory_space<vmem>> -> memref<1x16384xf32, #tpu.memory_space<vmem>>
        %dma_wait3A_708 = tpu.memref_squeeze %dma_wait3A_707 : memref<1x16384xf32, #tpu.memory_space<vmem>> -> memref<16384xf32, #tpu.memory_space<vmem>>
        %dma_wait3A_709 = arith.constant 12288 : i32
        %dma_wait3A_710 = tpu.memref_slice %dma_wait3A_708[%dma_wait3A_709] : memref<16384xf32, #tpu.memory_space<vmem>> -> memref<4096xf32, #tpu.memory_space<vmem>>
        %dma_wait3A_711 = tpu.memref_slice %arg4[%add3A_703] : memref<26214400xf32, #tpu.memory_space<hbm>> -> memref<4096xf32, #tpu.memory_space<hbm>>
        %dma_wait3A_712 = tpu.memref_slice %arg10[%dma_wait3A_705] : memref<2x!tpu.dma_semaphore, #tpu.memory_space<semaphore_mem>> -> memref<1x!tpu.dma_semaphore, #tpu.memory_space<semaphore_mem>>
        %dma_wait3A_713 = tpu.memref_squeeze %dma_wait3A_712 : memref<1x!tpu.dma_semaphore, #tpu.memory_space<semaphore_mem>> -> memref<!tpu.dma_semaphore, #tpu.memory_space<semaphore_mem>>
        %dma_wait3A_714 = tpu.memref_slice %arg4[%add3A_703] : memref<26214400xf32, #tpu.memory_space<hbm>> -> memref<4096xf32, #tpu.memory_space<hbm>>
        %dma_wait3A_715 = arith.constant 0 : i32
        %dma_wait3A_716 = tpu.memref_slice %arg7[%dma_wait3A_704, %dma_wait3A_715] : memref<2x16384xf32, #tpu.memory_space<vmem>> -> memref<1x16384xf32, #tpu.memory_space<vmem>>
        %dma_wait3A_717 = tpu.memref_squeeze %dma_wait3A_716 : memref<1x16384xf32, #tpu.memory_space<vmem>> -> memref<16384xf32, #tpu.memory_space<vmem>>
        %dma_wait3A_718 = arith.constant 12288 : i32
        %dma_wait3A_719 = tpu.memref_slice %dma_wait3A_717[%dma_wait3A_718] : memref<16384xf32, #tpu.memory_space<vmem>> -> memref<4096xf32, #tpu.memory_space<vmem>>
        tpu.wait_dma2 semaphore(%dma_wait3A_713 : memref<!tpu.dma_semaphore, #tpu.memory_space<semaphore_mem>>) src(%dma_wait3A_719 : memref<4096xf32, #tpu.memory_space<vmem>>) dst(%dma_wait3A_714 : memref<4096xf32, #tpu.memory_space<hbm>>)
      } else {
      }
      %scan3A_352 = arith.constant 0 : i32
      %scan3A_353 = arith.constant 0 : i32
      %scan3A_354 = arith.constant 4 : i32
      %scan3A_355 = arith.addi %scan3A_353, %scan3A_354 : i32
      %scan3A_356 = arith.constant 1 : i32
      scf.for %scan3A_610 = %scan3A_353 to %scan3A_355 step %scan3A_356  : i32 {
        %mul3A_611 = arith.constant 1024 : i32
        %mul3A_612 = arith.muli %scan3A_610, %mul3A_611 : i32
        %add3A_613 = vector.broadcast %mul3A_612 : i32 to vector<16xi32>
        %add3A_614 = arith.addi %add3A_50, %add3A_613 : vector<16xi32>
        %mul3A_615 = arith.constant 1024 : i32
        %mul3A_616 = arith.muli %scan3A_610, %mul3A_615 : i32
        %add3A_617 = vector.broadcast %mul3A_616 : i32 to vector<16xi32>
        %add3A_618 = arith.addi %add3A_113, %add3A_617 : vector<16xi32>
        %mul3A_619 = arith.constant 128 : i32
        %mul3A_620 = arith.muli %scan3A_610, %mul3A_619 : i32
        %scan3A_621 = arith.constant 0 : i32
        %scan3A_622 = arith.constant 0 : i32
        %scan3A_623 = arith.constant 128 : i32
        %scan3A_624 = arith.addi %scan3A_622, %scan3A_623 : i32
        %scan3A_625 = arith.constant 8 : i32
        scf.for %scan3A_627 = %scan3A_622 to %scan3A_624 step %scan3A_625  : i32 {
          %add3A_628 = arith.addi %mul3A_620, %scan3A_627 : i32
          %get3A = arith.constant 0 : i32
          %get3A_629 = arith.index_cast %get3A : i32 to index
          %get3A_630 = arith.index_cast %add3A_628 : i32 to index
          %get3A_631 = arith.constant 0 : index
          %get3A_632 = tpu.vector_load %arg6[%get3A_629, %get3A_630, %get3A_631] {strides = array<i32>} : memref<2x512x32xf32, #tpu.memory_space<vmem>>, vector<16xf32>,
          %get3A_633 = arith.constant 0 : i32
          %get3A_634 = arith.index_cast %get3A_633 : i32 to index
          %get3A_635 = arith.index_cast %add3A_628 : i32 to index
          %get3A_636 = arith.constant 16 : index
          %get3A_637 = tpu.vector_load %arg6[%get3A_634, %get3A_635, %get3A_636] {strides = array<i32>} : memref<2x512x32xf32, #tpu.memory_space<vmem>>, vector<16xf32>,
          %add3A_638 = vector.broadcast %scan3A_627 : i32 to vector<16xi32>
          %add3A_639 = arith.addi %add3A_614, %add3A_638 : vector<16xi32>
          %mul3A_640 = arith.constant 5.65685415 : f32
          %mul3A_641 = vector.broadcast %mul3A_640 : f32 to vector<16xf32>
          %mul3A_642 = arith.mulf %get3A_632, %mul3A_641 : vector<16xf32>
          %scatter3A = arith.constant 0 : i32
          %scatter3A_643 = arith.constant 0 : i32
          %scatter3A_644 = tpu.memref_slice %arg7[%scatter3A, %scatter3A_643] : memref<2x16384xf32, #tpu.memory_space<vmem>> -> memref<1x16384xf32, #tpu.memory_space<vmem>>
          %scatter3A_645 = tpu.memref_squeeze %scatter3A_644 : memref<1x16384xf32, #tpu.memory_space<vmem>> -> memref<16384xf32, #tpu.memory_space<vmem>>
          tpu.vector_store_idx %scatter3A_645[%add3A_639], %mul3A_642 : memref<16384xf32, #tpu.memory_space<vmem>>[vector<16xi32>], vector<16xf32>,
          %add3A_646 = vector.broadcast %scan3A_627 : i32 to vector<16xi32>
          %add3A_647 = arith.addi %add3A_618, %add3A_646 : vector<16xi32>
          %mul3A_648 = arith.constant 5.65685415 : f32
          %mul3A_649 = vector.broadcast %mul3A_648 : f32 to vector<16xf32>
          %mul3A_650 = arith.mulf %get3A_637, %mul3A_649 : vector<16xf32>
          %scatter3A_651 = arith.constant 0 : i32
          %scatter3A_652 = arith.constant 0 : i32
          %scatter3A_653 = tpu.memref_slice %arg7[%scatter3A_651, %scatter3A_652] : memref<2x16384xf32, #tpu.memory_space<vmem>> -> memref<1x16384xf32, #tpu.memory_space<vmem>>
          %scatter3A_654 = tpu.memref_squeeze %scatter3A_653 : memref<1x16384xf32, #tpu.memory_space<vmem>> -> memref<16384xf32, #tpu.memory_space<vmem>>
          tpu.vector_store_idx %scatter3A_654[%add3A_647], %mul3A_650 : memref<16384xf32, #tpu.memory_space<vmem>>[vector<16xi32>], vector<16xf32>,
          %scan3A_655 = arith.constant 1 : i32
          %scan3A_656 = arith.addi %scan3A_627, %scan3A_655 : i32
          %add3A_657 = arith.addi %mul3A_620, %scan3A_656 : i32
          %get3A_658 = arith.constant 0 : i32
          %get3A_659 = arith.index_cast %get3A_658 : i32 to index
          %get3A_660 = arith.index_cast %add3A_657 : i32 to index
          %get3A_661 = arith.constant 0 : index
          %get3A_662 = tpu.vector_load %arg6[%get3A_659, %get3A_660, %get3A_661] {strides = array<i32>} : memref<2x512x32xf32, #tpu.memory_space<vmem>>, vector<16xf32>,
          %get3A_663 = arith.constant 0 : i32
          %get3A_664 = arith.index_cast %get3A_663 : i32 to index
          %get3A_665 = arith.index_cast %add3A_657 : i32 to index
          %get3A_666 = arith.constant 16 : index
          %get3A_667 = tpu.vector_load %arg6[%get3A_664, %get3A_665, %get3A_666] {strides = array<i32>} : memref<2x512x32xf32, #tpu.memory_space<vmem>>, vector<16xf32>,
          %add3A_668 = vector.broadcast %scan3A_656 : i32 to vector<16xi32>
          %add3A_669 = arith.addi %add3A_614, %add3A_668 : vector<16xi32>
          %mul3A_670 = arith.constant 5.65685415 : f32
          %mul3A_671 = vector.broadcast %mul3A_670 : f32 to vector<16xf32>
          %mul3A_672 = arith.mulf %get3A_662, %mul3A_671 : vector<16xf32>
          %scatter3A_673 = arith.constant 0 : i32
          %scatter3A_674 = arith.constant 0 : i32
          %scatter3A_675 = tpu.memref_slice %arg7[%scatter3A_673, %scatter3A_674] : memref<2x16384xf32, #tpu.memory_space<vmem>> -> memref<1x16384xf32, #tpu.memory_space<vmem>>
          %scatter3A_676 = tpu.memref_squeeze %scatter3A_675 : memref<1x16384xf32, #tpu.memory_space<vmem>> -> memref<16384xf32, #tpu.memory_space<vmem>>
          tpu.vector_store_idx %scatter3A_676[%add3A_669], %mul3A_672 : memref<16384xf32, #tpu.memory_space<vmem>>[vector<16xi32>], vector<16xf32>,
          %add3A_677 = vector.broadcast %scan3A_656 : i32 to vector<16xi32>
          %add3A_678 = arith.addi %add3A_618, %add3A_677 : vector<16xi32>
          %mul3A_679 = arith.constant 5.65685415 : f32
          %mul3A_680 = vector.broadcast %mul3A_679 : f32 to vector<16xf32>
          %mul3A_681 = arith.mulf %get3A_667, %mul3A_680 : vector<16xf32>
          %scatter3A_682 = arith.constant 0 : i32
          %scatter3A_683 = arith.constant 0 : i32
          %scatter3A_684 = tpu.memref_slice %arg7[%scatter3A_682, %scatter3A_683] : memref<2x16384xf32, #tpu.memory_space<vmem>> -> memref<1x16384xf32, #tpu.memory_space<vmem>>
          %scatter3A_685 = tpu.memref_squeeze %scatter3A_684 : memref<1x16384xf32, #tpu.memory_space<vmem>> -> memref<16384xf32, #tpu.memory_space<vmem>>
          tpu.vector_store_idx %scatter3A_685[%add3A_678], %mul3A_681 : memref<16384xf32, #tpu.memory_space<vmem>>[vector<16xi32>], vector<16xf32>,
          %scan3A_686 = arith.constant 2 : i32
          %scan3A_687 = arith.addi %scan3A_627, %scan3A_686 : i32
          %add3A_688 = arith.addi %mul3A_620, %scan3A_687 : i32
          %get3A_689 = arith.constant 0 : i32
          %get3A_690 = arith.index_cast %get3A_689 : i32 to index
          %get3A_691 = arith.index_cast %add3A_688 : i32 to index
          %get3A_692 = arith.constant 0 : index
          %get3A_693 = tpu.vector_load %arg6[%get3A_690, %get3A_691, %get3A_692] {strides = array<i32>} : memref<2x512x32xf32, #tpu.memory_space<vmem>>, vector<16xf32>,
          %get3A_694 = arith.constant 0 : i32
          %get3A_695 = arith.index_cast %get3A_694 : i32 to index
          %get3A_696 = arith.index_cast %add3A_688 : i32 to index
          %get3A_697 = arith.constant 16 : index
          %get3A_698 = tpu.vector_load %arg6[%get3A_695, %get3A_696, %get3A_697] {strides = array<i32>} : memref<2x512x32xf32, #tpu.memory_space<vmem>>, vector<16xf32>,
          %add3A_699 = vector.broadcast %scan3A_687 : i32 to vector<16xi32>
          %add3A_700 = arith.addi %add3A_614, %add3A_699 : vector<16xi32>
          %mul3A_701 = arith.constant 5.65685415 : f32
          %mul3A_702 = vector.broadcast %mul3A_701 : f32 to vector<16xf32>
          %mul3A_703 = arith.mulf %get3A_693, %mul3A_702 : vector<16xf32>
          %scatter3A_704 = arith.constant 0 : i32
          %scatter3A_705 = arith.constant 0 : i32
          %scatter3A_706 = tpu.memref_slice %arg7[%scatter3A_704, %scatter3A_705] : memref<2x16384xf32, #tpu.memory_space<vmem>> -> memref<1x16384xf32, #tpu.memory_space<vmem>>
          %scatter3A_707 = tpu.memref_squeeze %scatter3A_706 : memref<1x16384xf32, #tpu.memory_space<vmem>> -> memref<16384xf32, #tpu.memory_space<vmem>>
          tpu.vector_store_idx %scatter3A_707[%add3A_700], %mul3A_703 : memref<16384xf32, #tpu.memory_space<vmem>>[vector<16xi32>], vector<16xf32>,
          %add3A_708 = vector.broadcast %scan3A_687 : i32 to vector<16xi32>
          %add3A_709 = arith.addi %add3A_618, %add3A_708 : vector<16xi32>
          %mul3A_710 = arith.constant 5.65685415 : f32
          %mul3A_711 = vector.broadcast %mul3A_710 : f32 to vector<16xf32>
          %mul3A_712 = arith.mulf %get3A_698, %mul3A_711 : vector<16xf32>
          %scatter3A_713 = arith.constant 0 : i32
          %scatter3A_714 = arith.constant 0 : i32
          %scatter3A_715 = tpu.memref_slice %arg7[%scatter3A_713, %scatter3A_714] : memref<2x16384xf32, #tpu.memory_space<vmem>> -> memref<1x16384xf32, #tpu.memory_space<vmem>>
          %scatter3A_716 = tpu.memref_squeeze %scatter3A_715 : memref<1x16384xf32, #tpu.memory_space<vmem>> -> memref<16384xf32, #tpu.memory_space<vmem>>
          tpu.vector_store_idx %scatter3A_716[%add3A_709], %mul3A_712 : memref<16384xf32, #tpu.memory_space<vmem>>[vector<16xi32>], vector<16xf32>,
          %scan3A_717 = arith.constant 3 : i32
          %scan3A_718 = arith.addi %scan3A_627, %scan3A_717 : i32
          %add3A_719 = arith.addi %mul3A_620, %scan3A_718 : i32
          %get3A_720 = arith.constant 0 : i32
          %get3A_721 = arith.index_cast %get3A_720 : i32 to index
          %get3A_722 = arith.index_cast %add3A_719 : i32 to index
          %get3A_723 = arith.constant 0 : index
          %get3A_724 = tpu.vector_load %arg6[%get3A_721, %get3A_722, %get3A_723] {strides = array<i32>} : memref<2x512x32xf32, #tpu.memory_space<vmem>>, vector<16xf32>,
          %get3A_725 = arith.constant 0 : i32
          %get3A_726 = arith.index_cast %get3A_725 : i32 to index
          %get3A_727 = arith.index_cast %add3A_719 : i32 to index
          %get3A_728 = arith.constant 16 : index
          %get3A_729 = tpu.vector_load %arg6[%get3A_726, %get3A_727, %get3A_728] {strides = array<i32>} : memref<2x512x32xf32, #tpu.memory_space<vmem>>, vector<16xf32>,
          %add3A_730 = vector.broadcast %scan3A_718 : i32 to vector<16xi32>
          %add3A_731 = arith.addi %add3A_614, %add3A_730 : vector<16xi32>
          %mul3A_732 = arith.constant 5.65685415 : f32
          %mul3A_733 = vector.broadcast %mul3A_732 : f32 to vector<16xf32>
          %mul3A_734 = arith.mulf %get3A_724, %mul3A_733 : vector<16xf32>
          %scatter3A_735 = arith.constant 0 : i32
          %scatter3A_736 = arith.constant 0 : i32
          %scatter3A_737 = tpu.memref_slice %arg7[%scatter3A_735, %scatter3A_736] : memref<2x16384xf32, #tpu.memory_space<vmem>> -> memref<1x16384xf32, #tpu.memory_space<vmem>>
          %scatter3A_738 = tpu.memref_squeeze %scatter3A_737 : memref<1x16384xf32, #tpu.memory_space<vmem>> -> memref<16384xf32, #tpu.memory_space<vmem>>
          tpu.vector_store_idx %scatter3A_738[%add3A_731], %mul3A_734 : memref<16384xf32, #tpu.memory_space<vmem>>[vector<16xi32>], vector<16xf32>,
          %add3A_739 = vector.broadcast %scan3A_718 : i32 to vector<16xi32>
          %add3A_740 = arith.addi %add3A_618, %add3A_739 : vector<16xi32>
          %mul3A_741 = arith.constant 5.65685415 : f32
          %mul3A_742 = vector.broadcast %mul3A_741 : f32 to vector<16xf32>
          %mul3A_743 = arith.mulf %get3A_729, %mul3A_742 : vector<16xf32>
          %scatter3A_744 = arith.constant 0 : i32
          %scatter3A_745 = arith.constant 0 : i32
          %scatter3A_746 = tpu.memref_slice %arg7[%scatter3A_744, %scatter3A_745] : memref<2x16384xf32, #tpu.memory_space<vmem>> -> memref<1x16384xf32, #tpu.memory_space<vmem>>
          %scatter3A_747 = tpu.memref_squeeze %scatter3A_746 : memref<1x16384xf32, #tpu.memory_space<vmem>> -> memref<16384xf32, #tpu.memory_space<vmem>>
          tpu.vector_store_idx %scatter3A_747[%add3A_740], %mul3A_743 : memref<16384xf32, #tpu.memory_space<vmem>>[vector<16xi32>], vector<16xf32>,
          %scan3A_748 = arith.constant 4 : i32
          %scan3A_749 = arith.addi %scan3A_627, %scan3A_748 : i32
          %add3A_750 = arith.addi %mul3A_620, %scan3A_749 : i32
          %get3A_751 = arith.constant 0 : i32
          %get3A_752 = arith.index_cast %get3A_751 : i32 to index
          %get3A_753 = arith.index_cast %add3A_750 : i32 to index
          %get3A_754 = arith.constant 0 : index
          %get3A_755 = tpu.vector_load %arg6[%get3A_752, %get3A_753, %get3A_754] {strides = array<i32>} : memref<2x512x32xf32, #tpu.memory_space<vmem>>, vector<16xf32>,
          %get3A_756 = arith.constant 0 : i32
          %get3A_757 = arith.index_cast %get3A_756 : i32 to index
          %get3A_758 = arith.index_cast %add3A_750 : i32 to index
          %get3A_759 = arith.constant 16 : index
          %get3A_760 = tpu.vector_load %arg6[%get3A_757, %get3A_758, %get3A_759] {strides = array<i32>} : memref<2x512x32xf32, #tpu.memory_space<vmem>>, vector<16xf32>,
          %add3A_761 = vector.broadcast %scan3A_749 : i32 to vector<16xi32>
          %add3A_762 = arith.addi %add3A_614, %add3A_761 : vector<16xi32>
          %mul3A_763 = arith.constant 5.65685415 : f32
          %mul3A_764 = vector.broadcast %mul3A_763 : f32 to vector<16xf32>
          %mul3A_765 = arith.mulf %get3A_755, %mul3A_764 : vector<16xf32>
          %scatter3A_766 = arith.constant 0 : i32
          %scatter3A_767 = arith.constant 0 : i32
          %scatter3A_768 = tpu.memref_slice %arg7[%scatter3A_766, %scatter3A_767] : memref<2x16384xf32, #tpu.memory_space<vmem>> -> memref<1x16384xf32, #tpu.memory_space<vmem>>
          %scatter3A_769 = tpu.memref_squeeze %scatter3A_768 : memref<1x16384xf32, #tpu.memory_space<vmem>> -> memref<16384xf32, #tpu.memory_space<vmem>>
          tpu.vector_store_idx %scatter3A_769[%add3A_762], %mul3A_765 : memref<16384xf32, #tpu.memory_space<vmem>>[vector<16xi32>], vector<16xf32>,
          %add3A_770 = vector.broadcast %scan3A_749 : i32 to vector<16xi32>
          %add3A_771 = arith.addi %add3A_618, %add3A_770 : vector<16xi32>
          %mul3A_772 = arith.constant 5.65685415 : f32
          %mul3A_773 = vector.broadcast %mul3A_772 : f32 to vector<16xf32>
          %mul3A_774 = arith.mulf %get3A_760, %mul3A_773 : vector<16xf32>
          %scatter3A_775 = arith.constant 0 : i32
          %scatter3A_776 = arith.constant 0 : i32
          %scatter3A_777 = tpu.memref_slice %arg7[%scatter3A_775, %scatter3A_776] : memref<2x16384xf32, #tpu.memory_space<vmem>> -> memref<1x16384xf32, #tpu.memory_space<vmem>>
          %scatter3A_778 = tpu.memref_squeeze %scatter3A_777 : memref<1x16384xf32, #tpu.memory_space<vmem>> -> memref<16384xf32, #tpu.memory_space<vmem>>
          tpu.vector_store_idx %scatter3A_778[%add3A_771], %mul3A_774 : memref<16384xf32, #tpu.memory_space<vmem>>[vector<16xi32>], vector<16xf32>,
          %scan3A_779 = arith.constant 5 : i32
          %scan3A_780 = arith.addi %scan3A_627, %scan3A_779 : i32
          %add3A_781 = arith.addi %mul3A_620, %scan3A_780 : i32
          %get3A_782 = arith.constant 0 : i32
          %get3A_783 = arith.index_cast %get3A_782 : i32 to index
          %get3A_784 = arith.index_cast %add3A_781 : i32 to index
          %get3A_785 = arith.constant 0 : index
          %get3A_786 = tpu.vector_load %arg6[%get3A_783, %get3A_784, %get3A_785] {strides = array<i32>} : memref<2x512x32xf32, #tpu.memory_space<vmem>>, vector<16xf32>,
          %get3A_787 = arith.constant 0 : i32
          %get3A_788 = arith.index_cast %get3A_787 : i32 to index
          %get3A_789 = arith.index_cast %add3A_781 : i32 to index
          %get3A_790 = arith.constant 16 : index
          %get3A_791 = tpu.vector_load %arg6[%get3A_788, %get3A_789, %get3A_790] {strides = array<i32>} : memref<2x512x32xf32, #tpu.memory_space<vmem>>, vector<16xf32>,
          %add3A_792 = vector.broadcast %scan3A_780 : i32 to vector<16xi32>
          %add3A_793 = arith.addi %add3A_614, %add3A_792 : vector<16xi32>
          %mul3A_794 = arith.constant 5.65685415 : f32
          %mul3A_795 = vector.broadcast %mul3A_794 : f32 to vector<16xf32>
          %mul3A_796 = arith.mulf %get3A_786, %mul3A_795 : vector<16xf32>
          %scatter3A_797 = arith.constant 0 : i32
          %scatter3A_798 = arith.constant 0 : i32
          %scatter3A_799 = tpu.memref_slice %arg7[%scatter3A_797, %scatter3A_798] : memref<2x16384xf32, #tpu.memory_space<vmem>> -> memref<1x16384xf32, #tpu.memory_space<vmem>>
          %scatter3A_800 = tpu.memref_squeeze %scatter3A_799 : memref<1x16384xf32, #tpu.memory_space<vmem>> -> memref<16384xf32, #tpu.memory_space<vmem>>
          tpu.vector_store_idx %scatter3A_800[%add3A_793], %mul3A_796 : memref<16384xf32, #tpu.memory_space<vmem>>[vector<16xi32>], vector<16xf32>,
          %add3A_801 = vector.broadcast %scan3A_780 : i32 to vector<16xi32>
          %add3A_802 = arith.addi %add3A_618, %add3A_801 : vector<16xi32>
          %mul3A_803 = arith.constant 5.65685415 : f32
          %mul3A_804 = vector.broadcast %mul3A_803 : f32 to vector<16xf32>
          %mul3A_805 = arith.mulf %get3A_791, %mul3A_804 : vector<16xf32>
          %scatter3A_806 = arith.constant 0 : i32
          %scatter3A_807 = arith.constant 0 : i32
          %scatter3A_808 = tpu.memref_slice %arg7[%scatter3A_806, %scatter3A_807] : memref<2x16384xf32, #tpu.memory_space<vmem>> -> memref<1x16384xf32, #tpu.memory_space<vmem>>
          %scatter3A_809 = tpu.memref_squeeze %scatter3A_808 : memref<1x16384xf32, #tpu.memory_space<vmem>> -> memref<16384xf32, #tpu.memory_space<vmem>>
          tpu.vector_store_idx %scatter3A_809[%add3A_802], %mul3A_805 : memref<16384xf32, #tpu.memory_space<vmem>>[vector<16xi32>], vector<16xf32>,
          %scan3A_810 = arith.constant 6 : i32
          %scan3A_811 = arith.addi %scan3A_627, %scan3A_810 : i32
          %add3A_812 = arith.addi %mul3A_620, %scan3A_811 : i32
          %get3A_813 = arith.constant 0 : i32
          %get3A_814 = arith.index_cast %get3A_813 : i32 to index
          %get3A_815 = arith.index_cast %add3A_812 : i32 to index
          %get3A_816 = arith.constant 0 : index
          %get3A_817 = tpu.vector_load %arg6[%get3A_814, %get3A_815, %get3A_816] {strides = array<i32>} : memref<2x512x32xf32, #tpu.memory_space<vmem>>, vector<16xf32>,
          %get3A_818 = arith.constant 0 : i32
          %get3A_819 = arith.index_cast %get3A_818 : i32 to index
          %get3A_820 = arith.index_cast %add3A_812 : i32 to index
          %get3A_821 = arith.constant 16 : index
          %get3A_822 = tpu.vector_load %arg6[%get3A_819, %get3A_820, %get3A_821] {strides = array<i32>} : memref<2x512x32xf32, #tpu.memory_space<vmem>>, vector<16xf32>,
          %add3A_823 = vector.broadcast %scan3A_811 : i32 to vector<16xi32>
          %add3A_824 = arith.addi %add3A_614, %add3A_823 : vector<16xi32>
          %mul3A_825 = arith.constant 5.65685415 : f32
          %mul3A_826 = vector.broadcast %mul3A_825 : f32 to vector<16xf32>
          %mul3A_827 = arith.mulf %get3A_817, %mul3A_826 : vector<16xf32>
          %scatter3A_828 = arith.constant 0 : i32
          %scatter3A_829 = arith.constant 0 : i32
          %scatter3A_830 = tpu.memref_slice %arg7[%scatter3A_828, %scatter3A_829] : memref<2x16384xf32, #tpu.memory_space<vmem>> -> memref<1x16384xf32, #tpu.memory_space<vmem>>
          %scatter3A_831 = tpu.memref_squeeze %scatter3A_830 : memref<1x16384xf32, #tpu.memory_space<vmem>> -> memref<16384xf32, #tpu.memory_space<vmem>>
          tpu.vector_store_idx %scatter3A_831[%add3A_824], %mul3A_827 : memref<16384xf32, #tpu.memory_space<vmem>>[vector<16xi32>], vector<16xf32>,
          %add3A_832 = vector.broadcast %scan3A_811 : i32 to vector<16xi32>
          %add3A_833 = arith.addi %add3A_618, %add3A_832 : vector<16xi32>
          %mul3A_834 = arith.constant 5.65685415 : f32
          %mul3A_835 = vector.broadcast %mul3A_834 : f32 to vector<16xf32>
          %mul3A_836 = arith.mulf %get3A_822, %mul3A_835 : vector<16xf32>
          %scatter3A_837 = arith.constant 0 : i32
          %scatter3A_838 = arith.constant 0 : i32
          %scatter3A_839 = tpu.memref_slice %arg7[%scatter3A_837, %scatter3A_838] : memref<2x16384xf32, #tpu.memory_space<vmem>> -> memref<1x16384xf32, #tpu.memory_space<vmem>>
          %scatter3A_840 = tpu.memref_squeeze %scatter3A_839 : memref<1x16384xf32, #tpu.memory_space<vmem>> -> memref<16384xf32, #tpu.memory_space<vmem>>
          tpu.vector_store_idx %scatter3A_840[%add3A_833], %mul3A_836 : memref<16384xf32, #tpu.memory_space<vmem>>[vector<16xi32>], vector<16xf32>,
          %scan3A_841 = arith.constant 7 : i32
          %scan3A_842 = arith.addi %scan3A_627, %scan3A_841 : i32
          %add3A_843 = arith.addi %mul3A_620, %scan3A_842 : i32
          %get3A_844 = arith.constant 0 : i32
          %get3A_845 = arith.index_cast %get3A_844 : i32 to index
          %get3A_846 = arith.index_cast %add3A_843 : i32 to index
          %get3A_847 = arith.constant 0 : index
          %get3A_848 = tpu.vector_load %arg6[%get3A_845, %get3A_846, %get3A_847] {strides = array<i32>} : memref<2x512x32xf32, #tpu.memory_space<vmem>>, vector<16xf32>,
          %get3A_849 = arith.constant 0 : i32
          %get3A_850 = arith.index_cast %get3A_849 : i32 to index
          %get3A_851 = arith.index_cast %add3A_843 : i32 to index
          %get3A_852 = arith.constant 16 : index
          %get3A_853 = tpu.vector_load %arg6[%get3A_850, %get3A_851, %get3A_852] {strides = array<i32>} : memref<2x512x32xf32, #tpu.memory_space<vmem>>, vector<16xf32>,
          %add3A_854 = vector.broadcast %scan3A_842 : i32 to vector<16xi32>
          %add3A_855 = arith.addi %add3A_614, %add3A_854 : vector<16xi32>
          %mul3A_856 = arith.constant 5.65685415 : f32
          %mul3A_857 = vector.broadcast %mul3A_856 : f32 to vector<16xf32>
          %mul3A_858 = arith.mulf %get3A_848, %mul3A_857 : vector<16xf32>
          %scatter3A_859 = arith.constant 0 : i32
          %scatter3A_860 = arith.constant 0 : i32
          %scatter3A_861 = tpu.memref_slice %arg7[%scatter3A_859, %scatter3A_860] : memref<2x16384xf32, #tpu.memory_space<vmem>> -> memref<1x16384xf32, #tpu.memory_space<vmem>>
          %scatter3A_862 = tpu.memref_squeeze %scatter3A_861 : memref<1x16384xf32, #tpu.memory_space<vmem>> -> memref<16384xf32, #tpu.memory_space<vmem>>
          tpu.vector_store_idx %scatter3A_862[%add3A_855], %mul3A_858 : memref<16384xf32, #tpu.memory_space<vmem>>[vector<16xi32>], vector<16xf32>,
          %add3A_863 = vector.broadcast %scan3A_842 : i32 to vector<16xi32>
          %add3A_864 = arith.addi %add3A_618, %add3A_863 : vector<16xi32>
          %mul3A_865 = arith.constant 5.65685415 : f32
          %mul3A_866 = vector.broadcast %mul3A_865 : f32 to vector<16xf32>
          %mul3A_867 = arith.mulf %get3A_853, %mul3A_866 : vector<16xf32>
          %scatter3A_868 = arith.constant 0 : i32
          %scatter3A_869 = arith.constant 0 : i32
          %scatter3A_870 = tpu.memref_slice %arg7[%scatter3A_868, %scatter3A_869] : memref<2x16384xf32, #tpu.memory_space<vmem>> -> memref<1x16384xf32, #tpu.memory_space<vmem>>
          %scatter3A_871 = tpu.memref_squeeze %scatter3A_870 : memref<1x16384xf32, #tpu.memory_space<vmem>> -> memref<16384xf32, #tpu.memory_space<vmem>>
          tpu.vector_store_idx %scatter3A_871[%add3A_864], %mul3A_867 : memref<16384xf32, #tpu.memory_space<vmem>>[vector<16xi32>], vector<16xf32>,
        }
        %scan3A_626 = arith.constant 128 : i32
      }
      %scan3A_357 = arith.constant 4 : i32
      %mul3A_358 = arith.constant 32 : i32
      %mul3A_359 = arith.muli %add3A_328, %mul3A_358 : i32
      %mul3A_360 = arith.constant 16384 : i32
      %mul3A_361 = arith.muli %mul3A_359, %mul3A_360 : i32
      %add3A_362 = arith.constant 0 : i32
      %add3A_363 = arith.addi %mul3A_361, %add3A_362 : i32
      %mul3A_364 = arith.constant 4 : i32
      %mul3A_365 = arith.muli %add3A, %mul3A_364 : i32
      %mul3A_366 = arith.constant 1024 : i32
      %mul3A_367 = arith.muli %mul3A_365, %mul3A_366 : i32
      %add3A_368 = arith.addi %add3A_363, %mul3A_367 : i32
      %dma_start3A_369 = arith.constant 0 : i32
      %dma_start3A_370 = arith.constant 0 : i32
      %dma_start3A_371 = arith.constant 0 : i32
      %dma_start3A_372 = tpu.memref_slice %arg7[%dma_start3A_369, %dma_start3A_371] : memref<2x16384xf32, #tpu.memory_space<vmem>> -> memref<1x16384xf32, #tpu.memory_space<vmem>>
      %dma_start3A_373 = tpu.memref_squeeze %dma_start3A_372 : memref<1x16384xf32, #tpu.memory_space<vmem>> -> memref<16384xf32, #tpu.memory_space<vmem>>
      %dma_start3A_374 = arith.constant 0 : i32
      %dma_start3A_375 = tpu.memref_slice %dma_start3A_373[%dma_start3A_374] : memref<16384xf32, #tpu.memory_space<vmem>> -> memref<4096xf32, #tpu.memory_space<vmem>>
      %dma_start3A_376 = tpu.memref_slice %arg4[%add3A_368] : memref<26214400xf32, #tpu.memory_space<hbm>> -> memref<4096xf32, #tpu.memory_space<hbm>>
      %dma_start3A_377 = tpu.memref_slice %arg10[%dma_start3A_370] : memref<2x!tpu.dma_semaphore, #tpu.memory_space<semaphore_mem>> -> memref<1x!tpu.dma_semaphore, #tpu.memory_space<semaphore_mem>>
      %dma_start3A_378 = tpu.memref_squeeze %dma_start3A_377 : memref<1x!tpu.dma_semaphore, #tpu.memory_space<semaphore_mem>> -> memref<!tpu.dma_semaphore, #tpu.memory_space<semaphore_mem>>
      %dma_start3A_379 = tpu.memref_slice %arg4[%add3A_368] : memref<26214400xf32, #tpu.memory_space<hbm>> -> memref<4096xf32, #tpu.memory_space<hbm>>
      %dma_start3A_380 = arith.constant 0 : i32
      %dma_start3A_381 = tpu.memref_slice %arg7[%dma_start3A_369, %dma_start3A_380] : memref<2x16384xf32, #tpu.memory_space<vmem>> -> memref<1x16384xf32, #tpu.memory_space<vmem>>
      %dma_start3A_382 = tpu.memref_squeeze %dma_start3A_381 : memref<1x16384xf32, #tpu.memory_space<vmem>> -> memref<16384xf32, #tpu.memory_space<vmem>>
      %dma_start3A_383 = arith.constant 0 : i32
      %dma_start3A_384 = tpu.memref_slice %dma_start3A_382[%dma_start3A_383] : memref<16384xf32, #tpu.memory_space<vmem>> -> memref<4096xf32, #tpu.memory_space<vmem>>
      tpu.enqueue_dma source(%dma_start3A_384 : memref<4096xf32, #tpu.memory_space<vmem>>) target(%dma_start3A_379 : memref<4096xf32, #tpu.memory_space<hbm>>) target_semaphore(%dma_start3A_378 : memref<!tpu.dma_semaphore, #tpu.memory_space<semaphore_mem>>)
      %mul3A_385 = arith.constant 32 : i32
      %mul3A_386 = arith.muli %add3A_328, %mul3A_385 : i32
      %mul3A_387 = arith.constant 16384 : i32
      %mul3A_388 = arith.muli %mul3A_386, %mul3A_387 : i32
      %add3A_389 = arith.constant 131072 : i32
      %add3A_390 = arith.addi %mul3A_388, %add3A_389 : i32
      %mul3A_391 = arith.constant 4 : i32
      %mul3A_392 = arith.muli %add3A, %mul3A_391 : i32
      %mul3A_393 = arith.constant 1024 : i32
      %mul3A_394 = arith.muli %mul3A_392, %mul3A_393 : i32
      %add3A_395 = arith.addi %add3A_390, %mul3A_394 : i32
      %dma_start3A_396 = arith.constant 0 : i32
      %dma_start3A_397 = arith.constant 0 : i32
      %dma_start3A_398 = arith.constant 0 : i32
      %dma_start3A_399 = tpu.memref_slice %arg7[%dma_start3A_396, %dma_start3A_398] : memref<2x16384xf32, #tpu.memory_space<vmem>> -> memref<1x16384xf32, #tpu.memory_space<vmem>>
      %dma_start3A_400 = tpu.memref_squeeze %dma_start3A_399 : memref<1x16384xf32, #tpu.memory_space<vmem>> -> memref<16384xf32, #tpu.memory_space<vmem>>
      %dma_start3A_401 = arith.constant 4096 : i32
      %dma_start3A_402 = tpu.memref_slice %dma_start3A_400[%dma_start3A_401] : memref<16384xf32, #tpu.memory_space<vmem>> -> memref<4096xf32, #tpu.memory_space<vmem>>
      %dma_start3A_403 = tpu.memref_slice %arg4[%add3A_395] : memref<26214400xf32, #tpu.memory_space<hbm>> -> memref<4096xf32, #tpu.memory_space<hbm>>
      %dma_start3A_404 = tpu.memref_slice %arg10[%dma_start3A_397] : memref<2x!tpu.dma_semaphore, #tpu.memory_space<semaphore_mem>> -> memref<1x!tpu.dma_semaphore, #tpu.memory_space<semaphore_mem>>
      %dma_start3A_405 = tpu.memref_squeeze %dma_start3A_404 : memref<1x!tpu.dma_semaphore, #tpu.memory_space<semaphore_mem>> -> memref<!tpu.dma_semaphore, #tpu.memory_space<semaphore_mem>>
      %dma_start3A_406 = tpu.memref_slice %arg4[%add3A_395] : memref<26214400xf32, #tpu.memory_space<hbm>> -> memref<4096xf32, #tpu.memory_space<hbm>>
      %dma_start3A_407 = arith.constant 0 : i32
      %dma_start3A_408 = tpu.memref_slice %arg7[%dma_start3A_396, %dma_start3A_407] : memref<2x16384xf32, #tpu.memory_space<vmem>> -> memref<1x16384xf32, #tpu.memory_space<vmem>>
      %dma_start3A_409 = tpu.memref_squeeze %dma_start3A_408 : memref<1x16384xf32, #tpu.memory_space<vmem>> -> memref<16384xf32, #tpu.memory_space<vmem>>
      %dma_start3A_410 = arith.constant 4096 : i32
      %dma_start3A_411 = tpu.memref_slice %dma_start3A_409[%dma_start3A_410] : memref<16384xf32, #tpu.memory_space<vmem>> -> memref<4096xf32, #tpu.memory_space<vmem>>
      tpu.enqueue_dma source(%dma_start3A_411 : memref<4096xf32, #tpu.memory_space<vmem>>) target(%dma_start3A_406 : memref<4096xf32, #tpu.memory_space<hbm>>) target_semaphore(%dma_start3A_405 : memref<!tpu.dma_semaphore, #tpu.memory_space<semaphore_mem>>)
      %mul3A_412 = arith.constant 32 : i32
      %mul3A_413 = arith.muli %add3A_328, %mul3A_412 : i32
      %mul3A_414 = arith.constant 16384 : i32
      %mul3A_415 = arith.muli %mul3A_413, %mul3A_414 : i32
      %add3A_416 = arith.constant 262144 : i32
      %add3A_417 = arith.addi %mul3A_415, %add3A_416 : i32
      %mul3A_418 = arith.constant 4 : i32
      %mul3A_419 = arith.muli %add3A, %mul3A_418 : i32
      %mul3A_420 = arith.constant 1024 : i32
      %mul3A_421 = arith.muli %mul3A_419, %mul3A_420 : i32
      %add3A_422 = arith.addi %add3A_417, %mul3A_421 : i32
      %dma_start3A_423 = arith.constant 0 : i32
      %dma_start3A_424 = arith.constant 0 : i32
      %dma_start3A_425 = arith.constant 0 : i32
      %dma_start3A_426 = tpu.memref_slice %arg7[%dma_start3A_423, %dma_start3A_425] : memref<2x16384xf32, #tpu.memory_space<vmem>> -> memref<1x16384xf32, #tpu.memory_space<vmem>>
      %dma_start3A_427 = tpu.memref_squeeze %dma_start3A_426 : memref<1x16384xf32, #tpu.memory_space<vmem>> -> memref<16384xf32, #tpu.memory_space<vmem>>
      %dma_start3A_428 = arith.constant 8192 : i32
      %dma_start3A_429 = tpu.memref_slice %dma_start3A_427[%dma_start3A_428] : memref<16384xf32, #tpu.memory_space<vmem>> -> memref<4096xf32, #tpu.memory_space<vmem>>
      %dma_start3A_430 = tpu.memref_slice %arg4[%add3A_422] : memref<26214400xf32, #tpu.memory_space<hbm>> -> memref<4096xf32, #tpu.memory_space<hbm>>
      %dma_start3A_431 = tpu.memref_slice %arg10[%dma_start3A_424] : memref<2x!tpu.dma_semaphore, #tpu.memory_space<semaphore_mem>> -> memref<1x!tpu.dma_semaphore, #tpu.memory_space<semaphore_mem>>
      %dma_start3A_432 = tpu.memref_squeeze %dma_start3A_431 : memref<1x!tpu.dma_semaphore, #tpu.memory_space<semaphore_mem>> -> memref<!tpu.dma_semaphore, #tpu.memory_space<semaphore_mem>>
      %dma_start3A_433 = tpu.memref_slice %arg4[%add3A_422] : memref<26214400xf32, #tpu.memory_space<hbm>> -> memref<4096xf32, #tpu.memory_space<hbm>>
      %dma_start3A_434 = arith.constant 0 : i32
      %dma_start3A_435 = tpu.memref_slice %arg7[%dma_start3A_423, %dma_start3A_434] : memref<2x16384xf32, #tpu.memory_space<vmem>> -> memref<1x16384xf32, #tpu.memory_space<vmem>>
      %dma_start3A_436 = tpu.memref_squeeze %dma_start3A_435 : memref<1x16384xf32, #tpu.memory_space<vmem>> -> memref<16384xf32, #tpu.memory_space<vmem>>
      %dma_start3A_437 = arith.constant 8192 : i32
      %dma_start3A_438 = tpu.memref_slice %dma_start3A_436[%dma_start3A_437] : memref<16384xf32, #tpu.memory_space<vmem>> -> memref<4096xf32, #tpu.memory_space<vmem>>
      tpu.enqueue_dma source(%dma_start3A_438 : memref<4096xf32, #tpu.memory_space<vmem>>) target(%dma_start3A_433 : memref<4096xf32, #tpu.memory_space<hbm>>) target_semaphore(%dma_start3A_432 : memref<!tpu.dma_semaphore, #tpu.memory_space<semaphore_mem>>)
      %mul3A_439 = arith.constant 32 : i32
      %mul3A_440 = arith.muli %add3A_328, %mul3A_439 : i32
      %mul3A_441 = arith.constant 16384 : i32
      %mul3A_442 = arith.muli %mul3A_440, %mul3A_441 : i32
      %add3A_443 = arith.constant 393216 : i32
      %add3A_444 = arith.addi %mul3A_442, %add3A_443 : i32
      %mul3A_445 = arith.constant 4 : i32
      %mul3A_446 = arith.muli %add3A, %mul3A_445 : i32
      %mul3A_447 = arith.constant 1024 : i32
      %mul3A_448 = arith.muli %mul3A_446, %mul3A_447 : i32
      %add3A_449 = arith.addi %add3A_444, %mul3A_448 : i32
      %dma_start3A_450 = arith.constant 0 : i32
      %dma_start3A_451 = arith.constant 0 : i32
      %dma_start3A_452 = arith.constant 0 : i32
      %dma_start3A_453 = tpu.memref_slice %arg7[%dma_start3A_450, %dma_start3A_452] : memref<2x16384xf32, #tpu.memory_space<vmem>> -> memref<1x16384xf32, #tpu.memory_space<vmem>>
      %dma_start3A_454 = tpu.memref_squeeze %dma_start3A_453 : memref<1x16384xf32, #tpu.memory_space<vmem>> -> memref<16384xf32, #tpu.memory_space<vmem>>
      %dma_start3A_455 = arith.constant 12288 : i32
      %dma_start3A_456 = tpu.memref_slice %dma_start3A_454[%dma_start3A_455] : memref<16384xf32, #tpu.memory_space<vmem>> -> memref<4096xf32, #tpu.memory_space<vmem>>
      %dma_start3A_457 = tpu.memref_slice %arg4[%add3A_449] : memref<26214400xf32, #tpu.memory_space<hbm>> -> memref<4096xf32, #tpu.memory_space<hbm>>
      %dma_start3A_458 = tpu.memref_slice %arg10[%dma_start3A_451] : memref<2x!tpu.dma_semaphore, #tpu.memory_space<semaphore_mem>> -> memref<1x!tpu.dma_semaphore, #tpu.memory_space<semaphore_mem>>
      %dma_start3A_459 = tpu.memref_squeeze %dma_start3A_458 : memref<1x!tpu.dma_semaphore, #tpu.memory_space<semaphore_mem>> -> memref<!tpu.dma_semaphore, #tpu.memory_space<semaphore_mem>>
      %dma_start3A_460 = tpu.memref_slice %arg4[%add3A_449] : memref<26214400xf32, #tpu.memory_space<hbm>> -> memref<4096xf32, #tpu.memory_space<hbm>>
      %dma_start3A_461 = arith.constant 0 : i32
      %dma_start3A_462 = tpu.memref_slice %arg7[%dma_start3A_450, %dma_start3A_461] : memref<2x16384xf32, #tpu.memory_space<vmem>> -> memref<1x16384xf32, #tpu.memory_space<vmem>>
      %dma_start3A_463 = tpu.memref_squeeze %dma_start3A_462 : memref<1x16384xf32, #tpu.memory_space<vmem>> -> memref<16384xf32, #tpu.memory_space<vmem>>
      %dma_start3A_464 = arith.constant 12288 : i32
      %dma_start3A_465 = tpu.memref_slice %dma_start3A_463[%dma_start3A_464] : memref<16384xf32, #tpu.memory_space<vmem>> -> memref<4096xf32, #tpu.memory_space<vmem>>
      tpu.enqueue_dma source(%dma_start3A_465 : memref<4096xf32, #tpu.memory_space<vmem>>) target(%dma_start3A_460 : memref<4096xf32, #tpu.memory_space<hbm>>) target_semaphore(%dma_start3A_459 : memref<!tpu.dma_semaphore, #tpu.memory_space<semaphore_mem>>)
      %mul3A_466 = arith.constant 2 : i32
      %mul3A_467 = arith.muli %scan3A_324, %mul3A_466 : i32
      %add3A_468 = arith.constant 1 : i32
      %add3A_469 = arith.addi %mul3A_467, %add3A_468 : i32
      %add3A_470 = arith.constant 1 : i32
      %add3A_471 = arith.addi %add3A_469, %add3A_470 : i32
      %lt3A_472 = arith.constant 50 : i32
      %lt3A_473 = arith.cmpi slt, %add3A_471, %lt3A_472 : i32
      %convert_element_type3A_474 = arith.extui %lt3A_473 : i1 to i32
      %cond3A_475 = arith.constant 0 : i32
      %cond3A_476 = arith.cmpi ne, %convert_element_type3A_474, %cond3A_475 : i32
      scf.if %cond3A_476 {
        %add3A_610 = arith.constant 1 : i32
        %add3A_611 = arith.addi %add3A_469, %add3A_610 : i32
        %dma_start3A_612 = arith.constant 0 : i32
        %dma_start3A_613 = arith.constant 0 : i32
        %dma_start3A_614 = arith.constant 0 : i32
        %dma_start3A_615 = arith.constant 0 : i32
        %dma_start3A_616 = tpu.memref_slice %arg6[%dma_start3A_612, %dma_start3A_614, %dma_start3A_615] : memref<2x512x32xf32, #tpu.memory_space<vmem>> -> memref<1x512x32xf32, #tpu.memory_space<vmem>>
        %dma_start3A_617 = tpu.memref_squeeze %dma_start3A_616 : memref<1x512x32xf32, #tpu.memory_space<vmem>> -> memref<512x32xf32, #tpu.memory_space<vmem>>
        %dma_start3A_618 = arith.constant 0 : i32
        %dma_start3A_619 = tpu.memref_slice %arg5[%add3A_611, %dma_start3A_618] : memref<50x512xi32, #tpu.memory_space<vmem>> -> memref<1x512xi32, #tpu.memory_space<vmem>>
        %dma_start3A_620 = tpu.memref_squeeze %dma_start3A_619 : memref<1x512xi32, #tpu.memory_space<vmem>> -> memref<512xi32, #tpu.memory_space<vmem>>
        %dma_start3A_621 = arith.constant 0 : i32
        %dma_start3A_622 = arith.constant 0 : i32
        %dma_start3A_623 = tpu.memref_slice %arg3[%dma_start3A_621, %dma_start3A_622] : memref<1000000x32xf32, #tpu.memory_space<hbm>> -> memref<1000000x32xf32, #tpu.memory_space<hbm>>
        %dma_start3A_624 = tpu.memref_slice %arg9[%dma_start3A_613] : memref<2x!tpu.dma_semaphore, #tpu.memory_space<semaphore_mem>> -> memref<1x!tpu.dma_semaphore, #tpu.memory_space<semaphore_mem>>
        %dma_start3A_625 = tpu.memref_squeeze %dma_start3A_624 : memref<1x!tpu.dma_semaphore, #tpu.memory_space<semaphore_mem>> -> memref<!tpu.dma_semaphore, #tpu.memory_space<semaphore_mem>>
        tpu.enqueue_indirect_dma source(%dma_start3A_623 : memref<1000000x32xf32, #tpu.memory_space<hbm>>) target(%dma_start3A_617 : memref<512x32xf32, #tpu.memory_space<vmem>>) offsets(%dma_start3A_620 : memref<512xi32, #tpu.memory_space<vmem>>) semaphore(%dma_start3A_625 : memref<!tpu.dma_semaphore, #tpu.memory_space<semaphore_mem>>)
      } else {
      }
      %dma_wait3A_477 = arith.constant 1 : i32
      %dma_wait3A_478 = arith.constant 1 : i32
      %dma_wait3A_479 = arith.constant 0 : i32
      %dma_wait3A_480 = arith.constant 0 : i32
      %dma_wait3A_481 = tpu.memref_slice %arg6[%dma_wait3A_477, %dma_wait3A_479, %dma_wait3A_480] : memref<2x512x32xf32, #tpu.memory_space<vmem>> -> memref<1x512x32xf32, #tpu.memory_space<vmem>>
      %dma_wait3A_482 = tpu.memref_squeeze %dma_wait3A_481 : memref<1x512x32xf32, #tpu.memory_space<vmem>> -> memref<512x32xf32, #tpu.memory_space<vmem>>
      %dma_wait3A_483 = arith.constant 0 : i32
      %dma_wait3A_484 = tpu.memref_slice %arg5[%add3A_469, %dma_wait3A_483] : memref<50x512xi32, #tpu.memory_space<vmem>> -> memref<1x512xi32, #tpu.memory_space<vmem>>
      %dma_wait3A_485 = tpu.memref_squeeze %dma_wait3A_484 : memref<1x512xi32, #tpu.memory_space<vmem>> -> memref<512xi32, #tpu.memory_space<vmem>>
      %dma_wait3A_486 = arith.constant 0 : i32
      %dma_wait3A_487 = arith.constant 0 : i32
      %dma_wait3A_488 = tpu.memref_slice %arg3[%dma_wait3A_486, %dma_wait3A_487] : memref<1000000x32xf32, #tpu.memory_space<hbm>> -> memref<1000000x32xf32, #tpu.memory_space<hbm>>
      %dma_wait3A_489 = tpu.memref_slice %arg9[%dma_wait3A_478] : memref<2x!tpu.dma_semaphore, #tpu.memory_space<semaphore_mem>> -> memref<1x!tpu.dma_semaphore, #tpu.memory_space<semaphore_mem>>
      %dma_wait3A_490 = tpu.memref_squeeze %dma_wait3A_489 : memref<1x!tpu.dma_semaphore, #tpu.memory_space<semaphore_mem>> -> memref<!tpu.dma_semaphore, #tpu.memory_space<semaphore_mem>>
      tpu.wait_indirect_dma semaphore(%dma_wait3A_490 : memref<!tpu.dma_semaphore, #tpu.memory_space<semaphore_mem>>) src(%dma_wait3A_488 : memref<1000000x32xf32, #tpu.memory_space<hbm>>) dst(%dma_wait3A_482 : memref<512x32xf32, #tpu.memory_space<vmem>>)
      %gt3A_491 = arith.constant 0 : i32
      %gt3A_492 = arith.cmpi sgt, %scan3A_324, %gt3A_491 : i32
      %convert_element_type3A_493 = arith.extui %gt3A_492 : i1 to i32
      %cond3A_494 = arith.constant 0 : i32
      %cond3A_495 = arith.cmpi ne, %convert_element_type3A_493, %cond3A_494 : i32
      scf.if %cond3A_495 {
        %sub3A_610 = arith.constant 2 : i32
        %sub3A_611 = arith.subi %add3A_469, %sub3A_610 : i32
        %mul3A_612 = arith.constant 32 : i32
        %mul3A_613 = arith.muli %sub3A_611, %mul3A_612 : i32
        %mul3A_614 = arith.constant 16384 : i32
        %mul3A_615 = arith.muli %mul3A_613, %mul3A_614 : i32
        %add3A_616 = arith.constant 0 : i32
        %add3A_617 = arith.addi %mul3A_615, %add3A_616 : i32
        %mul3A_618 = arith.constant 4 : i32
        %mul3A_619 = arith.muli %add3A, %mul3A_618 : i32
        %mul3A_620 = arith.constant 1024 : i32
        %mul3A_621 = arith.muli %mul3A_619, %mul3A_620 : i32
        %add3A_622 = arith.addi %add3A_617, %mul3A_621 : i32
        %dma_wait3A_623 = arith.constant 1 : i32
        %dma_wait3A_624 = arith.constant 1 : i32
        %dma_wait3A_625 = arith.constant 0 : i32
        %dma_wait3A_626 = tpu.memref_slice %arg7[%dma_wait3A_623, %dma_wait3A_625] : memref<2x16384xf32, #tpu.memory_space<vmem>> -> memref<1x16384xf32, #tpu.memory_space<vmem>>
        %dma_wait3A_627 = tpu.memref_squeeze %dma_wait3A_626 : memref<1x16384xf32, #tpu.memory_space<vmem>> -> memref<16384xf32, #tpu.memory_space<vmem>>
        %dma_wait3A_628 = arith.constant 0 : i32
        %dma_wait3A_629 = tpu.memref_slice %dma_wait3A_627[%dma_wait3A_628] : memref<16384xf32, #tpu.memory_space<vmem>> -> memref<4096xf32, #tpu.memory_space<vmem>>
        %dma_wait3A_630 = tpu.memref_slice %arg4[%add3A_622] : memref<26214400xf32, #tpu.memory_space<hbm>> -> memref<4096xf32, #tpu.memory_space<hbm>>
        %dma_wait3A_631 = tpu.memref_slice %arg10[%dma_wait3A_624] : memref<2x!tpu.dma_semaphore, #tpu.memory_space<semaphore_mem>> -> memref<1x!tpu.dma_semaphore, #tpu.memory_space<semaphore_mem>>
        %dma_wait3A_632 = tpu.memref_squeeze %dma_wait3A_631 : memref<1x!tpu.dma_semaphore, #tpu.memory_space<semaphore_mem>> -> memref<!tpu.dma_semaphore, #tpu.memory_space<semaphore_mem>>
        %dma_wait3A_633 = tpu.memref_slice %arg4[%add3A_622] : memref<26214400xf32, #tpu.memory_space<hbm>> -> memref<4096xf32, #tpu.memory_space<hbm>>
        %dma_wait3A_634 = arith.constant 0 : i32
        %dma_wait3A_635 = tpu.memref_slice %arg7[%dma_wait3A_623, %dma_wait3A_634] : memref<2x16384xf32, #tpu.memory_space<vmem>> -> memref<1x16384xf32, #tpu.memory_space<vmem>>
        %dma_wait3A_636 = tpu.memref_squeeze %dma_wait3A_635 : memref<1x16384xf32, #tpu.memory_space<vmem>> -> memref<16384xf32, #tpu.memory_space<vmem>>
        %dma_wait3A_637 = arith.constant 0 : i32
        %dma_wait3A_638 = tpu.memref_slice %dma_wait3A_636[%dma_wait3A_637] : memref<16384xf32, #tpu.memory_space<vmem>> -> memref<4096xf32, #tpu.memory_space<vmem>>
        tpu.wait_dma2 semaphore(%dma_wait3A_632 : memref<!tpu.dma_semaphore, #tpu.memory_space<semaphore_mem>>) src(%dma_wait3A_638 : memref<4096xf32, #tpu.memory_space<vmem>>) dst(%dma_wait3A_633 : memref<4096xf32, #tpu.memory_space<hbm>>)
        %mul3A_639 = arith.constant 32 : i32
        %mul3A_640 = arith.muli %sub3A_611, %mul3A_639 : i32
        %mul3A_641 = arith.constant 16384 : i32
        %mul3A_642 = arith.muli %mul3A_640, %mul3A_641 : i32
        %add3A_643 = arith.constant 131072 : i32
        %add3A_644 = arith.addi %mul3A_642, %add3A_643 : i32
        %mul3A_645 = arith.constant 4 : i32
        %mul3A_646 = arith.muli %add3A, %mul3A_645 : i32
        %mul3A_647 = arith.constant 1024 : i32
        %mul3A_648 = arith.muli %mul3A_646, %mul3A_647 : i32
        %add3A_649 = arith.addi %add3A_644, %mul3A_648 : i32
        %dma_wait3A_650 = arith.constant 1 : i32
        %dma_wait3A_651 = arith.constant 1 : i32
        %dma_wait3A_652 = arith.constant 0 : i32
        %dma_wait3A_653 = tpu.memref_slice %arg7[%dma_wait3A_650, %dma_wait3A_652] : memref<2x16384xf32, #tpu.memory_space<vmem>> -> memref<1x16384xf32, #tpu.memory_space<vmem>>
        %dma_wait3A_654 = tpu.memref_squeeze %dma_wait3A_653 : memref<1x16384xf32, #tpu.memory_space<vmem>> -> memref<16384xf32, #tpu.memory_space<vmem>>
        %dma_wait3A_655 = arith.constant 4096 : i32
        %dma_wait3A_656 = tpu.memref_slice %dma_wait3A_654[%dma_wait3A_655] : memref<16384xf32, #tpu.memory_space<vmem>> -> memref<4096xf32, #tpu.memory_space<vmem>>
        %dma_wait3A_657 = tpu.memref_slice %arg4[%add3A_649] : memref<26214400xf32, #tpu.memory_space<hbm>> -> memref<4096xf32, #tpu.memory_space<hbm>>
        %dma_wait3A_658 = tpu.memref_slice %arg10[%dma_wait3A_651] : memref<2x!tpu.dma_semaphore, #tpu.memory_space<semaphore_mem>> -> memref<1x!tpu.dma_semaphore, #tpu.memory_space<semaphore_mem>>
        %dma_wait3A_659 = tpu.memref_squeeze %dma_wait3A_658 : memref<1x!tpu.dma_semaphore, #tpu.memory_space<semaphore_mem>> -> memref<!tpu.dma_semaphore, #tpu.memory_space<semaphore_mem>>
        %dma_wait3A_660 = tpu.memref_slice %arg4[%add3A_649] : memref<26214400xf32, #tpu.memory_space<hbm>> -> memref<4096xf32, #tpu.memory_space<hbm>>
        %dma_wait3A_661 = arith.constant 0 : i32
        %dma_wait3A_662 = tpu.memref_slice %arg7[%dma_wait3A_650, %dma_wait3A_661] : memref<2x16384xf32, #tpu.memory_space<vmem>> -> memref<1x16384xf32, #tpu.memory_space<vmem>>
        %dma_wait3A_663 = tpu.memref_squeeze %dma_wait3A_662 : memref<1x16384xf32, #tpu.memory_space<vmem>> -> memref<16384xf32, #tpu.memory_space<vmem>>
        %dma_wait3A_664 = arith.constant 4096 : i32
        %dma_wait3A_665 = tpu.memref_slice %dma_wait3A_663[%dma_wait3A_664] : memref<16384xf32, #tpu.memory_space<vmem>> -> memref<4096xf32, #tpu.memory_space<vmem>>
        tpu.wait_dma2 semaphore(%dma_wait3A_659 : memref<!tpu.dma_semaphore, #tpu.memory_space<semaphore_mem>>) src(%dma_wait3A_665 : memref<4096xf32, #tpu.memory_space<vmem>>) dst(%dma_wait3A_660 : memref<4096xf32, #tpu.memory_space<hbm>>)
        %mul3A_666 = arith.constant 32 : i32
        %mul3A_667 = arith.muli %sub3A_611, %mul3A_666 : i32
        %mul3A_668 = arith.constant 16384 : i32
        %mul3A_669 = arith.muli %mul3A_667, %mul3A_668 : i32
        %add3A_670 = arith.constant 262144 : i32
        %add3A_671 = arith.addi %mul3A_669, %add3A_670 : i32
        %mul3A_672 = arith.constant 4 : i32
        %mul3A_673 = arith.muli %add3A, %mul3A_672 : i32
        %mul3A_674 = arith.constant 1024 : i32
        %mul3A_675 = arith.muli %mul3A_673, %mul3A_674 : i32
        %add3A_676 = arith.addi %add3A_671, %mul3A_675 : i32
        %dma_wait3A_677 = arith.constant 1 : i32
        %dma_wait3A_678 = arith.constant 1 : i32
        %dma_wait3A_679 = arith.constant 0 : i32
        %dma_wait3A_680 = tpu.memref_slice %arg7[%dma_wait3A_677, %dma_wait3A_679] : memref<2x16384xf32, #tpu.memory_space<vmem>> -> memref<1x16384xf32, #tpu.memory_space<vmem>>
        %dma_wait3A_681 = tpu.memref_squeeze %dma_wait3A_680 : memref<1x16384xf32, #tpu.memory_space<vmem>> -> memref<16384xf32, #tpu.memory_space<vmem>>
        %dma_wait3A_682 = arith.constant 8192 : i32
        %dma_wait3A_683 = tpu.memref_slice %dma_wait3A_681[%dma_wait3A_682] : memref<16384xf32, #tpu.memory_space<vmem>> -> memref<4096xf32, #tpu.memory_space<vmem>>
        %dma_wait3A_684 = tpu.memref_slice %arg4[%add3A_676] : memref<26214400xf32, #tpu.memory_space<hbm>> -> memref<4096xf32, #tpu.memory_space<hbm>>
        %dma_wait3A_685 = tpu.memref_slice %arg10[%dma_wait3A_678] : memref<2x!tpu.dma_semaphore, #tpu.memory_space<semaphore_mem>> -> memref<1x!tpu.dma_semaphore, #tpu.memory_space<semaphore_mem>>
        %dma_wait3A_686 = tpu.memref_squeeze %dma_wait3A_685 : memref<1x!tpu.dma_semaphore, #tpu.memory_space<semaphore_mem>> -> memref<!tpu.dma_semaphore, #tpu.memory_space<semaphore_mem>>
        %dma_wait3A_687 = tpu.memref_slice %arg4[%add3A_676] : memref<26214400xf32, #tpu.memory_space<hbm>> -> memref<4096xf32, #tpu.memory_space<hbm>>
        %dma_wait3A_688 = arith.constant 0 : i32
        %dma_wait3A_689 = tpu.memref_slice %arg7[%dma_wait3A_677, %dma_wait3A_688] : memref<2x16384xf32, #tpu.memory_space<vmem>> -> memref<1x16384xf32, #tpu.memory_space<vmem>>
        %dma_wait3A_690 = tpu.memref_squeeze %dma_wait3A_689 : memref<1x16384xf32, #tpu.memory_space<vmem>> -> memref<16384xf32, #tpu.memory_space<vmem>>
        %dma_wait3A_691 = arith.constant 8192 : i32
        %dma_wait3A_692 = tpu.memref_slice %dma_wait3A_690[%dma_wait3A_691] : memref<16384xf32, #tpu.memory_space<vmem>> -> memref<4096xf32, #tpu.memory_space<vmem>>
        tpu.wait_dma2 semaphore(%dma_wait3A_686 : memref<!tpu.dma_semaphore, #tpu.memory_space<semaphore_mem>>) src(%dma_wait3A_692 : memref<4096xf32, #tpu.memory_space<vmem>>) dst(%dma_wait3A_687 : memref<4096xf32, #tpu.memory_space<hbm>>)
        %mul3A_693 = arith.constant 32 : i32
        %mul3A_694 = arith.muli %sub3A_611, %mul3A_693 : i32
        %mul3A_695 = arith.constant 16384 : i32
        %mul3A_696 = arith.muli %mul3A_694, %mul3A_695 : i32
        %add3A_697 = arith.constant 393216 : i32
        %add3A_698 = arith.addi %mul3A_696, %add3A_697 : i32
        %mul3A_699 = arith.constant 4 : i32
        %mul3A_700 = arith.muli %add3A, %mul3A_699 : i32
        %mul3A_701 = arith.constant 1024 : i32
        %mul3A_702 = arith.muli %mul3A_700, %mul3A_701 : i32
        %add3A_703 = arith.addi %add3A_698, %mul3A_702 : i32
        %dma_wait3A_704 = arith.constant 1 : i32
        %dma_wait3A_705 = arith.constant 1 : i32
        %dma_wait3A_706 = arith.constant 0 : i32
        %dma_wait3A_707 = tpu.memref_slice %arg7[%dma_wait3A_704, %dma_wait3A_706] : memref<2x16384xf32, #tpu.memory_space<vmem>> -> memref<1x16384xf32, #tpu.memory_space<vmem>>
        %dma_wait3A_708 = tpu.memref_squeeze %dma_wait3A_707 : memref<1x16384xf32, #tpu.memory_space<vmem>> -> memref<16384xf32, #tpu.memory_space<vmem>>
        %dma_wait3A_709 = arith.constant 12288 : i32
        %dma_wait3A_710 = tpu.memref_slice %dma_wait3A_708[%dma_wait3A_709] : memref<16384xf32, #tpu.memory_space<vmem>> -> memref<4096xf32, #tpu.memory_space<vmem>>
        %dma_wait3A_711 = tpu.memref_slice %arg4[%add3A_703] : memref<26214400xf32, #tpu.memory_space<hbm>> -> memref<4096xf32, #tpu.memory_space<hbm>>
        %dma_wait3A_712 = tpu.memref_slice %arg10[%dma_wait3A_705] : memref<2x!tpu.dma_semaphore, #tpu.memory_space<semaphore_mem>> -> memref<1x!tpu.dma_semaphore, #tpu.memory_space<semaphore_mem>>
        %dma_wait3A_713 = tpu.memref_squeeze %dma_wait3A_712 : memref<1x!tpu.dma_semaphore, #tpu.memory_space<semaphore_mem>> -> memref<!tpu.dma_semaphore, #tpu.memory_space<semaphore_mem>>
        %dma_wait3A_714 = tpu.memref_slice %arg4[%add3A_703] : memref<26214400xf32, #tpu.memory_space<hbm>> -> memref<4096xf32, #tpu.memory_space<hbm>>
        %dma_wait3A_715 = arith.constant 0 : i32
        %dma_wait3A_716 = tpu.memref_slice %arg7[%dma_wait3A_704, %dma_wait3A_715] : memref<2x16384xf32, #tpu.memory_space<vmem>> -> memref<1x16384xf32, #tpu.memory_space<vmem>>
        %dma_wait3A_717 = tpu.memref_squeeze %dma_wait3A_716 : memref<1x16384xf32, #tpu.memory_space<vmem>> -> memref<16384xf32, #tpu.memory_space<vmem>>
        %dma_wait3A_718 = arith.constant 12288 : i32
        %dma_wait3A_719 = tpu.memref_slice %dma_wait3A_717[%dma_wait3A_718] : memref<16384xf32, #tpu.memory_space<vmem>> -> memref<4096xf32, #tpu.memory_space<vmem>>
        tpu.wait_dma2 semaphore(%dma_wait3A_713 : memref<!tpu.dma_semaphore, #tpu.memory_space<semaphore_mem>>) src(%dma_wait3A_719 : memref<4096xf32, #tpu.memory_space<vmem>>) dst(%dma_wait3A_714 : memref<4096xf32, #tpu.memory_space<hbm>>)
      } else {
      }
      %scan3A_496 = arith.constant 0 : i32
      %scan3A_497 = arith.constant 0 : i32
      %scan3A_498 = arith.constant 4 : i32
      %scan3A_499 = arith.addi %scan3A_497, %scan3A_498 : i32
      %scan3A_500 = arith.constant 1 : i32
      scf.for %scan3A_610 = %scan3A_497 to %scan3A_499 step %scan3A_500  : i32 {
        %mul3A_611 = arith.constant 1024 : i32
        %mul3A_612 = arith.muli %scan3A_610, %mul3A_611 : i32
        %add3A_613 = vector.broadcast %mul3A_612 : i32 to vector<16xi32>
        %add3A_614 = arith.addi %add3A_50, %add3A_613 : vector<16xi32>
        %mul3A_615 = arith.constant 1024 : i32
        %mul3A_616 = arith.muli %scan3A_610, %mul3A_615 : i32
        %add3A_617 = vector.broadcast %mul3A_616 : i32 to vector<16xi32>
        %add3A_618 = arith.addi %add3A_113, %add3A_617 : vector<16xi32>
        %mul3A_619 = arith.constant 128 : i32
        %mul3A_620 = arith.muli %scan3A_610, %mul3A_619 : i32
        %scan3A_621 = arith.constant 0 : i32
        %scan3A_622 = arith.constant 0 : i32
        %scan3A_623 = arith.constant 128 : i32
        %scan3A_624 = arith.addi %scan3A_622, %scan3A_623 : i32
        %scan3A_625 = arith.constant 8 : i32
        scf.for %scan3A_627 = %scan3A_622 to %scan3A_624 step %scan3A_625  : i32 {
          %add3A_628 = arith.addi %mul3A_620, %scan3A_627 : i32
          %get3A = arith.constant 1 : i32
          %get3A_629 = arith.index_cast %get3A : i32 to index
          %get3A_630 = arith.index_cast %add3A_628 : i32 to index
          %get3A_631 = arith.constant 0 : index
          %get3A_632 = tpu.vector_load %arg6[%get3A_629, %get3A_630, %get3A_631] {strides = array<i32>} : memref<2x512x32xf32, #tpu.memory_space<vmem>>, vector<16xf32>,
          %get3A_633 = arith.constant 1 : i32
          %get3A_634 = arith.index_cast %get3A_633 : i32 to index
          %get3A_635 = arith.index_cast %add3A_628 : i32 to index
          %get3A_636 = arith.constant 16 : index
          %get3A_637 = tpu.vector_load %arg6[%get3A_634, %get3A_635, %get3A_636] {strides = array<i32>} : memref<2x512x32xf32, #tpu.memory_space<vmem>>, vector<16xf32>,
          %add3A_638 = vector.broadcast %scan3A_627 : i32 to vector<16xi32>
          %add3A_639 = arith.addi %add3A_614, %add3A_638 : vector<16xi32>
          %mul3A_640 = arith.constant 5.65685415 : f32
          %mul3A_641 = vector.broadcast %mul3A_640 : f32 to vector<16xf32>
          %mul3A_642 = arith.mulf %get3A_632, %mul3A_641 : vector<16xf32>
          %scatter3A = arith.constant 1 : i32
          %scatter3A_643 = arith.constant 0 : i32
          %scatter3A_644 = tpu.memref_slice %arg7[%scatter3A, %scatter3A_643] : memref<2x16384xf32, #tpu.memory_space<vmem>> -> memref<1x16384xf32, #tpu.memory_space<vmem>>
          %scatter3A_645 = tpu.memref_squeeze %scatter3A_644 : memref<1x16384xf32, #tpu.memory_space<vmem>> -> memref<16384xf32, #tpu.memory_space<vmem>>
          tpu.vector_store_idx %scatter3A_645[%add3A_639], %mul3A_642 : memref<16384xf32, #tpu.memory_space<vmem>>[vector<16xi32>], vector<16xf32>,
          %add3A_646 = vector.broadcast %scan3A_627 : i32 to vector<16xi32>
          %add3A_647 = arith.addi %add3A_618, %add3A_646 : vector<16xi32>
          %mul3A_648 = arith.constant 5.65685415 : f32
          %mul3A_649 = vector.broadcast %mul3A_648 : f32 to vector<16xf32>
          %mul3A_650 = arith.mulf %get3A_637, %mul3A_649 : vector<16xf32>
          %scatter3A_651 = arith.constant 1 : i32
          %scatter3A_652 = arith.constant 0 : i32
          %scatter3A_653 = tpu.memref_slice %arg7[%scatter3A_651, %scatter3A_652] : memref<2x16384xf32, #tpu.memory_space<vmem>> -> memref<1x16384xf32, #tpu.memory_space<vmem>>
          %scatter3A_654 = tpu.memref_squeeze %scatter3A_653 : memref<1x16384xf32, #tpu.memory_space<vmem>> -> memref<16384xf32, #tpu.memory_space<vmem>>
          tpu.vector_store_idx %scatter3A_654[%add3A_647], %mul3A_650 : memref<16384xf32, #tpu.memory_space<vmem>>[vector<16xi32>], vector<16xf32>,
          %scan3A_655 = arith.constant 1 : i32
          %scan3A_656 = arith.addi %scan3A_627, %scan3A_655 : i32
          %add3A_657 = arith.addi %mul3A_620, %scan3A_656 : i32
          %get3A_658 = arith.constant 1 : i32
          %get3A_659 = arith.index_cast %get3A_658 : i32 to index
          %get3A_660 = arith.index_cast %add3A_657 : i32 to index
          %get3A_661 = arith.constant 0 : index
          %get3A_662 = tpu.vector_load %arg6[%get3A_659, %get3A_660, %get3A_661] {strides = array<i32>} : memref<2x512x32xf32, #tpu.memory_space<vmem>>, vector<16xf32>,
          %get3A_663 = arith.constant 1 : i32
          %get3A_664 = arith.index_cast %get3A_663 : i32 to index
          %get3A_665 = arith.index_cast %add3A_657 : i32 to index
          %get3A_666 = arith.constant 16 : index
          %get3A_667 = tpu.vector_load %arg6[%get3A_664, %get3A_665, %get3A_666] {strides = array<i32>} : memref<2x512x32xf32, #tpu.memory_space<vmem>>, vector<16xf32>,
          %add3A_668 = vector.broadcast %scan3A_656 : i32 to vector<16xi32>
          %add3A_669 = arith.addi %add3A_614, %add3A_668 : vector<16xi32>
          %mul3A_670 = arith.constant 5.65685415 : f32
          %mul3A_671 = vector.broadcast %mul3A_670 : f32 to vector<16xf32>
          %mul3A_672 = arith.mulf %get3A_662, %mul3A_671 : vector<16xf32>
          %scatter3A_673 = arith.constant 1 : i32
          %scatter3A_674 = arith.constant 0 : i32
          %scatter3A_675 = tpu.memref_slice %arg7[%scatter3A_673, %scatter3A_674] : memref<2x16384xf32, #tpu.memory_space<vmem>> -> memref<1x16384xf32, #tpu.memory_space<vmem>>
          %scatter3A_676 = tpu.memref_squeeze %scatter3A_675 : memref<1x16384xf32, #tpu.memory_space<vmem>> -> memref<16384xf32, #tpu.memory_space<vmem>>
          tpu.vector_store_idx %scatter3A_676[%add3A_669], %mul3A_672 : memref<16384xf32, #tpu.memory_space<vmem>>[vector<16xi32>], vector<16xf32>,
          %add3A_677 = vector.broadcast %scan3A_656 : i32 to vector<16xi32>
          %add3A_678 = arith.addi %add3A_618, %add3A_677 : vector<16xi32>
          %mul3A_679 = arith.constant 5.65685415 : f32
          %mul3A_680 = vector.broadcast %mul3A_679 : f32 to vector<16xf32>
          %mul3A_681 = arith.mulf %get3A_667, %mul3A_680 : vector<16xf32>
          %scatter3A_682 = arith.constant 1 : i32
          %scatter3A_683 = arith.constant 0 : i32
          %scatter3A_684 = tpu.memref_slice %arg7[%scatter3A_682, %scatter3A_683] : memref<2x16384xf32, #tpu.memory_space<vmem>> -> memref<1x16384xf32, #tpu.memory_space<vmem>>
          %scatter3A_685 = tpu.memref_squeeze %scatter3A_684 : memref<1x16384xf32, #tpu.memory_space<vmem>> -> memref<16384xf32, #tpu.memory_space<vmem>>
          tpu.vector_store_idx %scatter3A_685[%add3A_678], %mul3A_681 : memref<16384xf32, #tpu.memory_space<vmem>>[vector<16xi32>], vector<16xf32>,
          %scan3A_686 = arith.constant 2 : i32
          %scan3A_687 = arith.addi %scan3A_627, %scan3A_686 : i32
          %add3A_688 = arith.addi %mul3A_620, %scan3A_687 : i32
          %get3A_689 = arith.constant 1 : i32
          %get3A_690 = arith.index_cast %get3A_689 : i32 to index
          %get3A_691 = arith.index_cast %add3A_688 : i32 to index
          %get3A_692 = arith.constant 0 : index
          %get3A_693 = tpu.vector_load %arg6[%get3A_690, %get3A_691, %get3A_692] {strides = array<i32>} : memref<2x512x32xf32, #tpu.memory_space<vmem>>, vector<16xf32>,
          %get3A_694 = arith.constant 1 : i32
          %get3A_695 = arith.index_cast %get3A_694 : i32 to index
          %get3A_696 = arith.index_cast %add3A_688 : i32 to index
          %get3A_697 = arith.constant 16 : index
          %get3A_698 = tpu.vector_load %arg6[%get3A_695, %get3A_696, %get3A_697] {strides = array<i32>} : memref<2x512x32xf32, #tpu.memory_space<vmem>>, vector<16xf32>,
          %add3A_699 = vector.broadcast %scan3A_687 : i32 to vector<16xi32>
          %add3A_700 = arith.addi %add3A_614, %add3A_699 : vector<16xi32>
          %mul3A_701 = arith.constant 5.65685415 : f32
          %mul3A_702 = vector.broadcast %mul3A_701 : f32 to vector<16xf32>
          %mul3A_703 = arith.mulf %get3A_693, %mul3A_702 : vector<16xf32>
          %scatter3A_704 = arith.constant 1 : i32
          %scatter3A_705 = arith.constant 0 : i32
          %scatter3A_706 = tpu.memref_slice %arg7[%scatter3A_704, %scatter3A_705] : memref<2x16384xf32, #tpu.memory_space<vmem>> -> memref<1x16384xf32, #tpu.memory_space<vmem>>
          %scatter3A_707 = tpu.memref_squeeze %scatter3A_706 : memref<1x16384xf32, #tpu.memory_space<vmem>> -> memref<16384xf32, #tpu.memory_space<vmem>>
          tpu.vector_store_idx %scatter3A_707[%add3A_700], %mul3A_703 : memref<16384xf32, #tpu.memory_space<vmem>>[vector<16xi32>], vector<16xf32>,
          %add3A_708 = vector.broadcast %scan3A_687 : i32 to vector<16xi32>
          %add3A_709 = arith.addi %add3A_618, %add3A_708 : vector<16xi32>
          %mul3A_710 = arith.constant 5.65685415 : f32
          %mul3A_711 = vector.broadcast %mul3A_710 : f32 to vector<16xf32>
          %mul3A_712 = arith.mulf %get3A_698, %mul3A_711 : vector<16xf32>
          %scatter3A_713 = arith.constant 1 : i32
          %scatter3A_714 = arith.constant 0 : i32
          %scatter3A_715 = tpu.memref_slice %arg7[%scatter3A_713, %scatter3A_714] : memref<2x16384xf32, #tpu.memory_space<vmem>> -> memref<1x16384xf32, #tpu.memory_space<vmem>>
          %scatter3A_716 = tpu.memref_squeeze %scatter3A_715 : memref<1x16384xf32, #tpu.memory_space<vmem>> -> memref<16384xf32, #tpu.memory_space<vmem>>
          tpu.vector_store_idx %scatter3A_716[%add3A_709], %mul3A_712 : memref<16384xf32, #tpu.memory_space<vmem>>[vector<16xi32>], vector<16xf32>,
          %scan3A_717 = arith.constant 3 : i32
          %scan3A_718 = arith.addi %scan3A_627, %scan3A_717 : i32
          %add3A_719 = arith.addi %mul3A_620, %scan3A_718 : i32
          %get3A_720 = arith.constant 1 : i32
          %get3A_721 = arith.index_cast %get3A_720 : i32 to index
          %get3A_722 = arith.index_cast %add3A_719 : i32 to index
          %get3A_723 = arith.constant 0 : index
          %get3A_724 = tpu.vector_load %arg6[%get3A_721, %get3A_722, %get3A_723] {strides = array<i32>} : memref<2x512x32xf32, #tpu.memory_space<vmem>>, vector<16xf32>,
          %get3A_725 = arith.constant 1 : i32
          %get3A_726 = arith.index_cast %get3A_725 : i32 to index
          %get3A_727 = arith.index_cast %add3A_719 : i32 to index
          %get3A_728 = arith.constant 16 : index
          %get3A_729 = tpu.vector_load %arg6[%get3A_726, %get3A_727, %get3A_728] {strides = array<i32>} : memref<2x512x32xf32, #tpu.memory_space<vmem>>, vector<16xf32>,
          %add3A_730 = vector.broadcast %scan3A_718 : i32 to vector<16xi32>
          %add3A_731 = arith.addi %add3A_614, %add3A_730 : vector<16xi32>
          %mul3A_732 = arith.constant 5.65685415 : f32
          %mul3A_733 = vector.broadcast %mul3A_732 : f32 to vector<16xf32>
          %mul3A_734 = arith.mulf %get3A_724, %mul3A_733 : vector<16xf32>
          %scatter3A_735 = arith.constant 1 : i32
          %scatter3A_736 = arith.constant 0 : i32
          %scatter3A_737 = tpu.memref_slice %arg7[%scatter3A_735, %scatter3A_736] : memref<2x16384xf32, #tpu.memory_space<vmem>> -> memref<1x16384xf32, #tpu.memory_space<vmem>>
          %scatter3A_738 = tpu.memref_squeeze %scatter3A_737 : memref<1x16384xf32, #tpu.memory_space<vmem>> -> memref<16384xf32, #tpu.memory_space<vmem>>
          tpu.vector_store_idx %scatter3A_738[%add3A_731], %mul3A_734 : memref<16384xf32, #tpu.memory_space<vmem>>[vector<16xi32>], vector<16xf32>,
          %add3A_739 = vector.broadcast %scan3A_718 : i32 to vector<16xi32>
          %add3A_740 = arith.addi %add3A_618, %add3A_739 : vector<16xi32>
          %mul3A_741 = arith.constant 5.65685415 : f32
          %mul3A_742 = vector.broadcast %mul3A_741 : f32 to vector<16xf32>
          %mul3A_743 = arith.mulf %get3A_729, %mul3A_742 : vector<16xf32>
          %scatter3A_744 = arith.constant 1 : i32
          %scatter3A_745 = arith.constant 0 : i32
          %scatter3A_746 = tpu.memref_slice %arg7[%scatter3A_744, %scatter3A_745] : memref<2x16384xf32, #tpu.memory_space<vmem>> -> memref<1x16384xf32, #tpu.memory_space<vmem>>
          %scatter3A_747 = tpu.memref_squeeze %scatter3A_746 : memref<1x16384xf32, #tpu.memory_space<vmem>> -> memref<16384xf32, #tpu.memory_space<vmem>>
          tpu.vector_store_idx %scatter3A_747[%add3A_740], %mul3A_743 : memref<16384xf32, #tpu.memory_space<vmem>>[vector<16xi32>], vector<16xf32>,
          %scan3A_748 = arith.constant 4 : i32
          %scan3A_749 = arith.addi %scan3A_627, %scan3A_748 : i32
          %add3A_750 = arith.addi %mul3A_620, %scan3A_749 : i32
          %get3A_751 = arith.constant 1 : i32
          %get3A_752 = arith.index_cast %get3A_751 : i32 to index
          %get3A_753 = arith.index_cast %add3A_750 : i32 to index
          %get3A_754 = arith.constant 0 : index
          %get3A_755 = tpu.vector_load %arg6[%get3A_752, %get3A_753, %get3A_754] {strides = array<i32>} : memref<2x512x32xf32, #tpu.memory_space<vmem>>, vector<16xf32>,
          %get3A_756 = arith.constant 1 : i32
          %get3A_757 = arith.index_cast %get3A_756 : i32 to index
          %get3A_758 = arith.index_cast %add3A_750 : i32 to index
          %get3A_759 = arith.constant 16 : index
          %get3A_760 = tpu.vector_load %arg6[%get3A_757, %get3A_758, %get3A_759] {strides = array<i32>} : memref<2x512x32xf32, #tpu.memory_space<vmem>>, vector<16xf32>,
          %add3A_761 = vector.broadcast %scan3A_749 : i32 to vector<16xi32>
          %add3A_762 = arith.addi %add3A_614, %add3A_761 : vector<16xi32>
          %mul3A_763 = arith.constant 5.65685415 : f32
          %mul3A_764 = vector.broadcast %mul3A_763 : f32 to vector<16xf32>
          %mul3A_765 = arith.mulf %get3A_755, %mul3A_764 : vector<16xf32>
          %scatter3A_766 = arith.constant 1 : i32
          %scatter3A_767 = arith.constant 0 : i32
          %scatter3A_768 = tpu.memref_slice %arg7[%scatter3A_766, %scatter3A_767] : memref<2x16384xf32, #tpu.memory_space<vmem>> -> memref<1x16384xf32, #tpu.memory_space<vmem>>
          %scatter3A_769 = tpu.memref_squeeze %scatter3A_768 : memref<1x16384xf32, #tpu.memory_space<vmem>> -> memref<16384xf32, #tpu.memory_space<vmem>>
          tpu.vector_store_idx %scatter3A_769[%add3A_762], %mul3A_765 : memref<16384xf32, #tpu.memory_space<vmem>>[vector<16xi32>], vector<16xf32>,
          %add3A_770 = vector.broadcast %scan3A_749 : i32 to vector<16xi32>
          %add3A_771 = arith.addi %add3A_618, %add3A_770 : vector<16xi32>
          %mul3A_772 = arith.constant 5.65685415 : f32
          %mul3A_773 = vector.broadcast %mul3A_772 : f32 to vector<16xf32>
          %mul3A_774 = arith.mulf %get3A_760, %mul3A_773 : vector<16xf32>
          %scatter3A_775 = arith.constant 1 : i32
          %scatter3A_776 = arith.constant 0 : i32
          %scatter3A_777 = tpu.memref_slice %arg7[%scatter3A_775, %scatter3A_776] : memref<2x16384xf32, #tpu.memory_space<vmem>> -> memref<1x16384xf32, #tpu.memory_space<vmem>>
          %scatter3A_778 = tpu.memref_squeeze %scatter3A_777 : memref<1x16384xf32, #tpu.memory_space<vmem>> -> memref<16384xf32, #tpu.memory_space<vmem>>
          tpu.vector_store_idx %scatter3A_778[%add3A_771], %mul3A_774 : memref<16384xf32, #tpu.memory_space<vmem>>[vector<16xi32>], vector<16xf32>,
          %scan3A_779 = arith.constant 5 : i32
          %scan3A_780 = arith.addi %scan3A_627, %scan3A_779 : i32
          %add3A_781 = arith.addi %mul3A_620, %scan3A_780 : i32
          %get3A_782 = arith.constant 1 : i32
          %get3A_783 = arith.index_cast %get3A_782 : i32 to index
          %get3A_784 = arith.index_cast %add3A_781 : i32 to index
          %get3A_785 = arith.constant 0 : index
          %get3A_786 = tpu.vector_load %arg6[%get3A_783, %get3A_784, %get3A_785] {strides = array<i32>} : memref<2x512x32xf32, #tpu.memory_space<vmem>>, vector<16xf32>,
          %get3A_787 = arith.constant 1 : i32
          %get3A_788 = arith.index_cast %get3A_787 : i32 to index
          %get3A_789 = arith.index_cast %add3A_781 : i32 to index
          %get3A_790 = arith.constant 16 : index
          %get3A_791 = tpu.vector_load %arg6[%get3A_788, %get3A_789, %get3A_790] {strides = array<i32>} : memref<2x512x32xf32, #tpu.memory_space<vmem>>, vector<16xf32>,
          %add3A_792 = vector.broadcast %scan3A_780 : i32 to vector<16xi32>
          %add3A_793 = arith.addi %add3A_614, %add3A_792 : vector<16xi32>
          %mul3A_794 = arith.constant 5.65685415 : f32
          %mul3A_795 = vector.broadcast %mul3A_794 : f32 to vector<16xf32>
          %mul3A_796 = arith.mulf %get3A_786, %mul3A_795 : vector<16xf32>
          %scatter3A_797 = arith.constant 1 : i32
          %scatter3A_798 = arith.constant 0 : i32
          %scatter3A_799 = tpu.memref_slice %arg7[%scatter3A_797, %scatter3A_798] : memref<2x16384xf32, #tpu.memory_space<vmem>> -> memref<1x16384xf32, #tpu.memory_space<vmem>>
          %scatter3A_800 = tpu.memref_squeeze %scatter3A_799 : memref<1x16384xf32, #tpu.memory_space<vmem>> -> memref<16384xf32, #tpu.memory_space<vmem>>
          tpu.vector_store_idx %scatter3A_800[%add3A_793], %mul3A_796 : memref<16384xf32, #tpu.memory_space<vmem>>[vector<16xi32>], vector<16xf32>,
          %add3A_801 = vector.broadcast %scan3A_780 : i32 to vector<16xi32>
          %add3A_802 = arith.addi %add3A_618, %add3A_801 : vector<16xi32>
          %mul3A_803 = arith.constant 5.65685415 : f32
          %mul3A_804 = vector.broadcast %mul3A_803 : f32 to vector<16xf32>
          %mul3A_805 = arith.mulf %get3A_791, %mul3A_804 : vector<16xf32>
          %scatter3A_806 = arith.constant 1 : i32
          %scatter3A_807 = arith.constant 0 : i32
          %scatter3A_808 = tpu.memref_slice %arg7[%scatter3A_806, %scatter3A_807] : memref<2x16384xf32, #tpu.memory_space<vmem>> -> memref<1x16384xf32, #tpu.memory_space<vmem>>
          %scatter3A_809 = tpu.memref_squeeze %scatter3A_808 : memref<1x16384xf32, #tpu.memory_space<vmem>> -> memref<16384xf32, #tpu.memory_space<vmem>>
          tpu.vector_store_idx %scatter3A_809[%add3A_802], %mul3A_805 : memref<16384xf32, #tpu.memory_space<vmem>>[vector<16xi32>], vector<16xf32>,
          %scan3A_810 = arith.constant 6 : i32
          %scan3A_811 = arith.addi %scan3A_627, %scan3A_810 : i32
          %add3A_812 = arith.addi %mul3A_620, %scan3A_811 : i32
          %get3A_813 = arith.constant 1 : i32
          %get3A_814 = arith.index_cast %get3A_813 : i32 to index
          %get3A_815 = arith.index_cast %add3A_812 : i32 to index
          %get3A_816 = arith.constant 0 : index
          %get3A_817 = tpu.vector_load %arg6[%get3A_814, %get3A_815, %get3A_816] {strides = array<i32>} : memref<2x512x32xf32, #tpu.memory_space<vmem>>, vector<16xf32>,
          %get3A_818 = arith.constant 1 : i32
          %get3A_819 = arith.index_cast %get3A_818 : i32 to index
          %get3A_820 = arith.index_cast %add3A_812 : i32 to index
          %get3A_821 = arith.constant 16 : index
          %get3A_822 = tpu.vector_load %arg6[%get3A_819, %get3A_820, %get3A_821] {strides = array<i32>} : memref<2x512x32xf32, #tpu.memory_space<vmem>>, vector<16xf32>,
          %add3A_823 = vector.broadcast %scan3A_811 : i32 to vector<16xi32>
          %add3A_824 = arith.addi %add3A_614, %add3A_823 : vector<16xi32>
          %mul3A_825 = arith.constant 5.65685415 : f32
          %mul3A_826 = vector.broadcast %mul3A_825 : f32 to vector<16xf32>
          %mul3A_827 = arith.mulf %get3A_817, %mul3A_826 : vector<16xf32>
          %scatter3A_828 = arith.constant 1 : i32
          %scatter3A_829 = arith.constant 0 : i32
          %scatter3A_830 = tpu.memref_slice %arg7[%scatter3A_828, %scatter3A_829] : memref<2x16384xf32, #tpu.memory_space<vmem>> -> memref<1x16384xf32, #tpu.memory_space<vmem>>
          %scatter3A_831 = tpu.memref_squeeze %scatter3A_830 : memref<1x16384xf32, #tpu.memory_space<vmem>> -> memref<16384xf32, #tpu.memory_space<vmem>>
          tpu.vector_store_idx %scatter3A_831[%add3A_824], %mul3A_827 : memref<16384xf32, #tpu.memory_space<vmem>>[vector<16xi32>], vector<16xf32>,
          %add3A_832 = vector.broadcast %scan3A_811 : i32 to vector<16xi32>
          %add3A_833 = arith.addi %add3A_618, %add3A_832 : vector<16xi32>
          %mul3A_834 = arith.constant 5.65685415 : f32
          %mul3A_835 = vector.broadcast %mul3A_834 : f32 to vector<16xf32>
          %mul3A_836 = arith.mulf %get3A_822, %mul3A_835 : vector<16xf32>
          %scatter3A_837 = arith.constant 1 : i32
          %scatter3A_838 = arith.constant 0 : i32
          %scatter3A_839 = tpu.memref_slice %arg7[%scatter3A_837, %scatter3A_838] : memref<2x16384xf32, #tpu.memory_space<vmem>> -> memref<1x16384xf32, #tpu.memory_space<vmem>>
          %scatter3A_840 = tpu.memref_squeeze %scatter3A_839 : memref<1x16384xf32, #tpu.memory_space<vmem>> -> memref<16384xf32, #tpu.memory_space<vmem>>
          tpu.vector_store_idx %scatter3A_840[%add3A_833], %mul3A_836 : memref<16384xf32, #tpu.memory_space<vmem>>[vector<16xi32>], vector<16xf32>,
          %scan3A_841 = arith.constant 7 : i32
          %scan3A_842 = arith.addi %scan3A_627, %scan3A_841 : i32
          %add3A_843 = arith.addi %mul3A_620, %scan3A_842 : i32
          %get3A_844 = arith.constant 1 : i32
          %get3A_845 = arith.index_cast %get3A_844 : i32 to index
          %get3A_846 = arith.index_cast %add3A_843 : i32 to index
          %get3A_847 = arith.constant 0 : index
          %get3A_848 = tpu.vector_load %arg6[%get3A_845, %get3A_846, %get3A_847] {strides = array<i32>} : memref<2x512x32xf32, #tpu.memory_space<vmem>>, vector<16xf32>,
          %get3A_849 = arith.constant 1 : i32
          %get3A_850 = arith.index_cast %get3A_849 : i32 to index
          %get3A_851 = arith.index_cast %add3A_843 : i32 to index
          %get3A_852 = arith.constant 16 : index
          %get3A_853 = tpu.vector_load %arg6[%get3A_850, %get3A_851, %get3A_852] {strides = array<i32>} : memref<2x512x32xf32, #tpu.memory_space<vmem>>, vector<16xf32>,
          %add3A_854 = vector.broadcast %scan3A_842 : i32 to vector<16xi32>
          %add3A_855 = arith.addi %add3A_614, %add3A_854 : vector<16xi32>
          %mul3A_856 = arith.constant 5.65685415 : f32
          %mul3A_857 = vector.broadcast %mul3A_856 : f32 to vector<16xf32>
          %mul3A_858 = arith.mulf %get3A_848, %mul3A_857 : vector<16xf32>
          %scatter3A_859 = arith.constant 1 : i32
          %scatter3A_860 = arith.constant 0 : i32
          %scatter3A_861 = tpu.memref_slice %arg7[%scatter3A_859, %scatter3A_860] : memref<2x16384xf32, #tpu.memory_space<vmem>> -> memref<1x16384xf32, #tpu.memory_space<vmem>>
          %scatter3A_862 = tpu.memref_squeeze %scatter3A_861 : memref<1x16384xf32, #tpu.memory_space<vmem>> -> memref<16384xf32, #tpu.memory_space<vmem>>
          tpu.vector_store_idx %scatter3A_862[%add3A_855], %mul3A_858 : memref<16384xf32, #tpu.memory_space<vmem>>[vector<16xi32>], vector<16xf32>,
          %add3A_863 = vector.broadcast %scan3A_842 : i32 to vector<16xi32>
          %add3A_864 = arith.addi %add3A_618, %add3A_863 : vector<16xi32>
          %mul3A_865 = arith.constant 5.65685415 : f32
          %mul3A_866 = vector.broadcast %mul3A_865 : f32 to vector<16xf32>
          %mul3A_867 = arith.mulf %get3A_853, %mul3A_866 : vector<16xf32>
          %scatter3A_868 = arith.constant 1 : i32
          %scatter3A_869 = arith.constant 0 : i32
          %scatter3A_870 = tpu.memref_slice %arg7[%scatter3A_868, %scatter3A_869] : memref<2x16384xf32, #tpu.memory_space<vmem>> -> memref<1x16384xf32, #tpu.memory_space<vmem>>
          %scatter3A_871 = tpu.memref_squeeze %scatter3A_870 : memref<1x16384xf32, #tpu.memory_space<vmem>> -> memref<16384xf32, #tpu.memory_space<vmem>>
          tpu.vector_store_idx %scatter3A_871[%add3A_864], %mul3A_867 : memref<16384xf32, #tpu.memory_space<vmem>>[vector<16xi32>], vector<16xf32>,
        }
        %scan3A_626 = arith.constant 128 : i32
      }
      %scan3A_501 = arith.constant 4 : i32
      %mul3A_502 = arith.constant 32 : i32
      %mul3A_503 = arith.muli %add3A_469, %mul3A_502 : i32
      %mul3A_504 = arith.constant 16384 : i32
      %mul3A_505 = arith.muli %mul3A_503, %mul3A_504 : i32
      %add3A_506 = arith.constant 0 : i32
      %add3A_507 = arith.addi %mul3A_505, %add3A_506 : i32
      %mul3A_508 = arith.constant 4 : i32
      %mul3A_509 = arith.muli %add3A, %mul3A_508 : i32
      %mul3A_510 = arith.constant 1024 : i32
      %mul3A_511 = arith.muli %mul3A_509, %mul3A_510 : i32
      %add3A_512 = arith.addi %add3A_507, %mul3A_511 : i32
      %dma_start3A_513 = arith.constant 1 : i32
      %dma_start3A_514 = arith.constant 1 : i32
      %dma_start3A_515 = arith.constant 0 : i32
      %dma_start3A_516 = tpu.memref_slice %arg7[%dma_start3A_513, %dma_start3A_515] : memref<2x16384xf32, #tpu.memory_space<vmem>> -> memref<1x16384xf32, #tpu.memory_space<vmem>>
      %dma_start3A_517 = tpu.memref_squeeze %dma_start3A_516 : memref<1x16384xf32, #tpu.memory_space<vmem>> -> memref<16384xf32, #tpu.memory_space<vmem>>
      %dma_start3A_518 = arith.constant 0 : i32
      %dma_start3A_519 = tpu.memref_slice %dma_start3A_517[%dma_start3A_518] : memref<16384xf32, #tpu.memory_space<vmem>> -> memref<4096xf32, #tpu.memory_space<vmem>>
      %dma_start3A_520 = tpu.memref_slice %arg4[%add3A_512] : memref<26214400xf32, #tpu.memory_space<hbm>> -> memref<4096xf32, #tpu.memory_space<hbm>>
      %dma_start3A_521 = tpu.memref_slice %arg10[%dma_start3A_514] : memref<2x!tpu.dma_semaphore, #tpu.memory_space<semaphore_mem>> -> memref<1x!tpu.dma_semaphore, #tpu.memory_space<semaphore_mem>>
      %dma_start3A_522 = tpu.memref_squeeze %dma_start3A_521 : memref<1x!tpu.dma_semaphore, #tpu.memory_space<semaphore_mem>> -> memref<!tpu.dma_semaphore, #tpu.memory_space<semaphore_mem>>
      %dma_start3A_523 = tpu.memref_slice %arg4[%add3A_512] : memref<26214400xf32, #tpu.memory_space<hbm>> -> memref<4096xf32, #tpu.memory_space<hbm>>
      %dma_start3A_524 = arith.constant 0 : i32
      %dma_start3A_525 = tpu.memref_slice %arg7[%dma_start3A_513, %dma_start3A_524] : memref<2x16384xf32, #tpu.memory_space<vmem>> -> memref<1x16384xf32, #tpu.memory_space<vmem>>
      %dma_start3A_526 = tpu.memref_squeeze %dma_start3A_525 : memref<1x16384xf32, #tpu.memory_space<vmem>> -> memref<16384xf32, #tpu.memory_space<vmem>>
      %dma_start3A_527 = arith.constant 0 : i32
      %dma_start3A_528 = tpu.memref_slice %dma_start3A_526[%dma_start3A_527] : memref<16384xf32, #tpu.memory_space<vmem>> -> memref<4096xf32, #tpu.memory_space<vmem>>
      tpu.enqueue_dma source(%dma_start3A_528 : memref<4096xf32, #tpu.memory_space<vmem>>) target(%dma_start3A_523 : memref<4096xf32, #tpu.memory_space<hbm>>) target_semaphore(%dma_start3A_522 : memref<!tpu.dma_semaphore, #tpu.memory_space<semaphore_mem>>)
      %mul3A_529 = arith.constant 32 : i32
      %mul3A_530 = arith.muli %add3A_469, %mul3A_529 : i32
      %mul3A_531 = arith.constant 16384 : i32
      %mul3A_532 = arith.muli %mul3A_530, %mul3A_531 : i32
      %add3A_533 = arith.constant 131072 : i32
      %add3A_534 = arith.addi %mul3A_532, %add3A_533 : i32
      %mul3A_535 = arith.constant 4 : i32
      %mul3A_536 = arith.muli %add3A, %mul3A_535 : i32
      %mul3A_537 = arith.constant 1024 : i32
      %mul3A_538 = arith.muli %mul3A_536, %mul3A_537 : i32
      %add3A_539 = arith.addi %add3A_534, %mul3A_538 : i32
      %dma_start3A_540 = arith.constant 1 : i32
      %dma_start3A_541 = arith.constant 1 : i32
      %dma_start3A_542 = arith.constant 0 : i32
      %dma_start3A_543 = tpu.memref_slice %arg7[%dma_start3A_540, %dma_start3A_542] : memref<2x16384xf32, #tpu.memory_space<vmem>> -> memref<1x16384xf32, #tpu.memory_space<vmem>>
      %dma_start3A_544 = tpu.memref_squeeze %dma_start3A_543 : memref<1x16384xf32, #tpu.memory_space<vmem>> -> memref<16384xf32, #tpu.memory_space<vmem>>
      %dma_start3A_545 = arith.constant 4096 : i32
      %dma_start3A_546 = tpu.memref_slice %dma_start3A_544[%dma_start3A_545] : memref<16384xf32, #tpu.memory_space<vmem>> -> memref<4096xf32, #tpu.memory_space<vmem>>
      %dma_start3A_547 = tpu.memref_slice %arg4[%add3A_539] : memref<26214400xf32, #tpu.memory_space<hbm>> -> memref<4096xf32, #tpu.memory_space<hbm>>
      %dma_start3A_548 = tpu.memref_slice %arg10[%dma_start3A_541] : memref<2x!tpu.dma_semaphore, #tpu.memory_space<semaphore_mem>> -> memref<1x!tpu.dma_semaphore, #tpu.memory_space<semaphore_mem>>
      %dma_start3A_549 = tpu.memref_squeeze %dma_start3A_548 : memref<1x!tpu.dma_semaphore, #tpu.memory_space<semaphore_mem>> -> memref<!tpu.dma_semaphore, #tpu.memory_space<semaphore_mem>>
      %dma_start3A_550 = tpu.memref_slice %arg4[%add3A_539] : memref<26214400xf32, #tpu.memory_space<hbm>> -> memref<4096xf32, #tpu.memory_space<hbm>>
      %dma_start3A_551 = arith.constant 0 : i32
      %dma_start3A_552 = tpu.memref_slice %arg7[%dma_start3A_540, %dma_start3A_551] : memref<2x16384xf32, #tpu.memory_space<vmem>> -> memref<1x16384xf32, #tpu.memory_space<vmem>>
      %dma_start3A_553 = tpu.memref_squeeze %dma_start3A_552 : memref<1x16384xf32, #tpu.memory_space<vmem>> -> memref<16384xf32, #tpu.memory_space<vmem>>
      %dma_start3A_554 = arith.constant 4096 : i32
      %dma_start3A_555 = tpu.memref_slice %dma_start3A_553[%dma_start3A_554] : memref<16384xf32, #tpu.memory_space<vmem>> -> memref<4096xf32, #tpu.memory_space<vmem>>
      tpu.enqueue_dma source(%dma_start3A_555 : memref<4096xf32, #tpu.memory_space<vmem>>) target(%dma_start3A_550 : memref<4096xf32, #tpu.memory_space<hbm>>) target_semaphore(%dma_start3A_549 : memref<!tpu.dma_semaphore, #tpu.memory_space<semaphore_mem>>)
      %mul3A_556 = arith.constant 32 : i32
      %mul3A_557 = arith.muli %add3A_469, %mul3A_556 : i32
      %mul3A_558 = arith.constant 16384 : i32
      %mul3A_559 = arith.muli %mul3A_557, %mul3A_558 : i32
      %add3A_560 = arith.constant 262144 : i32
      %add3A_561 = arith.addi %mul3A_559, %add3A_560 : i32
      %mul3A_562 = arith.constant 4 : i32
      %mul3A_563 = arith.muli %add3A, %mul3A_562 : i32
      %mul3A_564 = arith.constant 1024 : i32
      %mul3A_565 = arith.muli %mul3A_563, %mul3A_564 : i32
      %add3A_566 = arith.addi %add3A_561, %mul3A_565 : i32
      %dma_start3A_567 = arith.constant 1 : i32
      %dma_start3A_568 = arith.constant 1 : i32
      %dma_start3A_569 = arith.constant 0 : i32
      %dma_start3A_570 = tpu.memref_slice %arg7[%dma_start3A_567, %dma_start3A_569] : memref<2x16384xf32, #tpu.memory_space<vmem>> -> memref<1x16384xf32, #tpu.memory_space<vmem>>
      %dma_start3A_571 = tpu.memref_squeeze %dma_start3A_570 : memref<1x16384xf32, #tpu.memory_space<vmem>> -> memref<16384xf32, #tpu.memory_space<vmem>>
      %dma_start3A_572 = arith.constant 8192 : i32
      %dma_start3A_573 = tpu.memref_slice %dma_start3A_571[%dma_start3A_572] : memref<16384xf32, #tpu.memory_space<vmem>> -> memref<4096xf32, #tpu.memory_space<vmem>>
      %dma_start3A_574 = tpu.memref_slice %arg4[%add3A_566] : memref<26214400xf32, #tpu.memory_space<hbm>> -> memref<4096xf32, #tpu.memory_space<hbm>>
      %dma_start3A_575 = tpu.memref_slice %arg10[%dma_start3A_568] : memref<2x!tpu.dma_semaphore, #tpu.memory_space<semaphore_mem>> -> memref<1x!tpu.dma_semaphore, #tpu.memory_space<semaphore_mem>>
      %dma_start3A_576 = tpu.memref_squeeze %dma_start3A_575 : memref<1x!tpu.dma_semaphore, #tpu.memory_space<semaphore_mem>> -> memref<!tpu.dma_semaphore, #tpu.memory_space<semaphore_mem>>
      %dma_start3A_577 = tpu.memref_slice %arg4[%add3A_566] : memref<26214400xf32, #tpu.memory_space<hbm>> -> memref<4096xf32, #tpu.memory_space<hbm>>
      %dma_start3A_578 = arith.constant 0 : i32
      %dma_start3A_579 = tpu.memref_slice %arg7[%dma_start3A_567, %dma_start3A_578] : memref<2x16384xf32, #tpu.memory_space<vmem>> -> memref<1x16384xf32, #tpu.memory_space<vmem>>
      %dma_start3A_580 = tpu.memref_squeeze %dma_start3A_579 : memref<1x16384xf32, #tpu.memory_space<vmem>> -> memref<16384xf32, #tpu.memory_space<vmem>>
      %dma_start3A_581 = arith.constant 8192 : i32
      %dma_start3A_582 = tpu.memref_slice %dma_start3A_580[%dma_start3A_581] : memref<16384xf32, #tpu.memory_space<vmem>> -> memref<4096xf32, #tpu.memory_space<vmem>>
      tpu.enqueue_dma source(%dma_start3A_582 : memref<4096xf32, #tpu.memory_space<vmem>>) target(%dma_start3A_577 : memref<4096xf32, #tpu.memory_space<hbm>>) target_semaphore(%dma_start3A_576 : memref<!tpu.dma_semaphore, #tpu.memory_space<semaphore_mem>>)
      %mul3A_583 = arith.constant 32 : i32
      %mul3A_584 = arith.muli %add3A_469, %mul3A_583 : i32
      %mul3A_585 = arith.constant 16384 : i32
      %mul3A_586 = arith.muli %mul3A_584, %mul3A_585 : i32
      %add3A_587 = arith.constant 393216 : i32
      %add3A_588 = arith.addi %mul3A_586, %add3A_587 : i32
      %mul3A_589 = arith.constant 4 : i32
      %mul3A_590 = arith.muli %add3A, %mul3A_589 : i32
      %mul3A_591 = arith.constant 1024 : i32
      %mul3A_592 = arith.muli %mul3A_590, %mul3A_591 : i32
      %add3A_593 = arith.addi %add3A_588, %mul3A_592 : i32
      %dma_start3A_594 = arith.constant 1 : i32
      %dma_start3A_595 = arith.constant 1 : i32
      %dma_start3A_596 = arith.constant 0 : i32
      %dma_start3A_597 = tpu.memref_slice %arg7[%dma_start3A_594, %dma_start3A_596] : memref<2x16384xf32, #tpu.memory_space<vmem>> -> memref<1x16384xf32, #tpu.memory_space<vmem>>
      %dma_start3A_598 = tpu.memref_squeeze %dma_start3A_597 : memref<1x16384xf32, #tpu.memory_space<vmem>> -> memref<16384xf32, #tpu.memory_space<vmem>>
      %dma_start3A_599 = arith.constant 12288 : i32
      %dma_start3A_600 = tpu.memref_slice %dma_start3A_598[%dma_start3A_599] : memref<16384xf32, #tpu.memory_space<vmem>> -> memref<4096xf32, #tpu.memory_space<vmem>>
      %dma_start3A_601 = tpu.memref_slice %arg4[%add3A_593] : memref<26214400xf32, #tpu.memory_space<hbm>> -> memref<4096xf32, #tpu.memory_space<hbm>>
      %dma_start3A_602 = tpu.memref_slice %arg10[%dma_start3A_595] : memref<2x!tpu.dma_semaphore, #tpu.memory_space<semaphore_mem>> -> memref<1x!tpu.dma_semaphore, #tpu.memory_space<semaphore_mem>>
      %dma_start3A_603 = tpu.memref_squeeze %dma_start3A_602 : memref<1x!tpu.dma_semaphore, #tpu.memory_space<semaphore_mem>> -> memref<!tpu.dma_semaphore, #tpu.memory_space<semaphore_mem>>
      %dma_start3A_604 = tpu.memref_slice %arg4[%add3A_593] : memref<26214400xf32, #tpu.memory_space<hbm>> -> memref<4096xf32, #tpu.memory_space<hbm>>
      %dma_start3A_605 = arith.constant 0 : i32
      %dma_start3A_606 = tpu.memref_slice %arg7[%dma_start3A_594, %dma_start3A_605] : memref<2x16384xf32, #tpu.memory_space<vmem>> -> memref<1x16384xf32, #tpu.memory_space<vmem>>
      %dma_start3A_607 = tpu.memref_squeeze %dma_start3A_606 : memref<1x16384xf32, #tpu.memory_space<vmem>> -> memref<16384xf32, #tpu.memory_space<vmem>>
      %dma_start3A_608 = arith.constant 12288 : i32
      %dma_start3A_609 = tpu.memref_slice %dma_start3A_607[%dma_start3A_608] : memref<16384xf32, #tpu.memory_space<vmem>> -> memref<4096xf32, #tpu.memory_space<vmem>>
      tpu.enqueue_dma source(%dma_start3A_609 : memref<4096xf32, #tpu.memory_space<vmem>>) target(%dma_start3A_604 : memref<4096xf32, #tpu.memory_space<hbm>>) target_semaphore(%dma_start3A_603 : memref<!tpu.dma_semaphore, #tpu.memory_space<semaphore_mem>>)
    }
    %scan3A_147 = arith.constant 25 : i32
    %mul3A_148 = arith.constant 4 : i32
    %mul3A_149 = arith.muli %add3A, %mul3A_148 : i32
    %mul3A_150 = arith.constant 1024 : i32
    %mul3A_151 = arith.muli %mul3A_149, %mul3A_150 : i32
    %add3A_152 = arith.constant 25165824 : i32
    %add3A_153 = arith.addi %add3A_152, %mul3A_151 : i32
    %dma_wait3A_154 = arith.constant 0 : i32
    %dma_wait3A_155 = arith.constant 0 : i32
    %dma_wait3A_156 = arith.constant 0 : i32
    %dma_wait3A_157 = tpu.memref_slice %arg7[%dma_wait3A_154, %dma_wait3A_156] : memref<2x16384xf32, #tpu.memory_space<vmem>> -> memref<1x16384xf32, #tpu.memory_space<vmem>>
    %dma_wait3A_158 = tpu.memref_squeeze %dma_wait3A_157 : memref<1x16384xf32, #tpu.memory_space<vmem>> -> memref<16384xf32, #tpu.memory_space<vmem>>
    %dma_wait3A_159 = arith.constant 0 : i32
    %dma_wait3A_160 = tpu.memref_slice %dma_wait3A_158[%dma_wait3A_159] : memref<16384xf32, #tpu.memory_space<vmem>> -> memref<4096xf32, #tpu.memory_space<vmem>>
    %dma_wait3A_161 = tpu.memref_slice %arg4[%add3A_153] : memref<26214400xf32, #tpu.memory_space<hbm>> -> memref<4096xf32, #tpu.memory_space<hbm>>
    %dma_wait3A_162 = tpu.memref_slice %arg10[%dma_wait3A_155] : memref<2x!tpu.dma_semaphore, #tpu.memory_space<semaphore_mem>> -> memref<1x!tpu.dma_semaphore, #tpu.memory_space<semaphore_mem>>
    %dma_wait3A_163 = tpu.memref_squeeze %dma_wait3A_162 : memref<1x!tpu.dma_semaphore, #tpu.memory_space<semaphore_mem>> -> memref<!tpu.dma_semaphore, #tpu.memory_space<semaphore_mem>>
    %dma_wait3A_164 = tpu.memref_slice %arg4[%add3A_153] : memref<26214400xf32, #tpu.memory_space<hbm>> -> memref<4096xf32, #tpu.memory_space<hbm>>
    %dma_wait3A_165 = arith.constant 0 : i32
    %dma_wait3A_166 = tpu.memref_slice %arg7[%dma_wait3A_154, %dma_wait3A_165] : memref<2x16384xf32, #tpu.memory_space<vmem>> -> memref<1x16384xf32, #tpu.memory_space<vmem>>
    %dma_wait3A_167 = tpu.memref_squeeze %dma_wait3A_166 : memref<1x16384xf32, #tpu.memory_space<vmem>> -> memref<16384xf32, #tpu.memory_space<vmem>>
    %dma_wait3A_168 = arith.constant 0 : i32
    %dma_wait3A_169 = tpu.memref_slice %dma_wait3A_167[%dma_wait3A_168] : memref<16384xf32, #tpu.memory_space<vmem>> -> memref<4096xf32, #tpu.memory_space<vmem>>
    tpu.wait_dma2 semaphore(%dma_wait3A_163 : memref<!tpu.dma_semaphore, #tpu.memory_space<semaphore_mem>>) src(%dma_wait3A_169 : memref<4096xf32, #tpu.memory_space<vmem>>) dst(%dma_wait3A_164 : memref<4096xf32, #tpu.memory_space<hbm>>)
    %mul3A_170 = arith.constant 4 : i32
    %mul3A_171 = arith.muli %add3A, %mul3A_170 : i32
    %mul3A_172 = arith.constant 1024 : i32
    %mul3A_173 = arith.muli %mul3A_171, %mul3A_172 : i32
    %add3A_174 = arith.constant 25296896 : i32
    %add3A_175 = arith.addi %add3A_174, %mul3A_173 : i32
    %dma_wait3A_176 = arith.constant 0 : i32
    %dma_wait3A_177 = arith.constant 0 : i32
    %dma_wait3A_178 = arith.constant 0 : i32
    %dma_wait3A_179 = tpu.memref_slice %arg7[%dma_wait3A_176, %dma_wait3A_178] : memref<2x16384xf32, #tpu.memory_space<vmem>> -> memref<1x16384xf32, #tpu.memory_space<vmem>>
    %dma_wait3A_180 = tpu.memref_squeeze %dma_wait3A_179 : memref<1x16384xf32, #tpu.memory_space<vmem>> -> memref<16384xf32, #tpu.memory_space<vmem>>
    %dma_wait3A_181 = arith.constant 4096 : i32
    %dma_wait3A_182 = tpu.memref_slice %dma_wait3A_180[%dma_wait3A_181] : memref<16384xf32, #tpu.memory_space<vmem>> -> memref<4096xf32, #tpu.memory_space<vmem>>
    %dma_wait3A_183 = tpu.memref_slice %arg4[%add3A_175] : memref<26214400xf32, #tpu.memory_space<hbm>> -> memref<4096xf32, #tpu.memory_space<hbm>>
    %dma_wait3A_184 = tpu.memref_slice %arg10[%dma_wait3A_177] : memref<2x!tpu.dma_semaphore, #tpu.memory_space<semaphore_mem>> -> memref<1x!tpu.dma_semaphore, #tpu.memory_space<semaphore_mem>>
    %dma_wait3A_185 = tpu.memref_squeeze %dma_wait3A_184 : memref<1x!tpu.dma_semaphore, #tpu.memory_space<semaphore_mem>> -> memref<!tpu.dma_semaphore, #tpu.memory_space<semaphore_mem>>
    %dma_wait3A_186 = tpu.memref_slice %arg4[%add3A_175] : memref<26214400xf32, #tpu.memory_space<hbm>> -> memref<4096xf32, #tpu.memory_space<hbm>>
    %dma_wait3A_187 = arith.constant 0 : i32
    %dma_wait3A_188 = tpu.memref_slice %arg7[%dma_wait3A_176, %dma_wait3A_187] : memref<2x16384xf32, #tpu.memory_space<vmem>> -> memref<1x16384xf32, #tpu.memory_space<vmem>>
    %dma_wait3A_189 = tpu.memref_squeeze %dma_wait3A_188 : memref<1x16384xf32, #tpu.memory_space<vmem>> -> memref<16384xf32, #tpu.memory_space<vmem>>
    %dma_wait3A_190 = arith.constant 4096 : i32
    %dma_wait3A_191 = tpu.memref_slice %dma_wait3A_189[%dma_wait3A_190] : memref<16384xf32, #tpu.memory_space<vmem>> -> memref<4096xf32, #tpu.memory_space<vmem>>
    tpu.wait_dma2 semaphore(%dma_wait3A_185 : memref<!tpu.dma_semaphore, #tpu.memory_space<semaphore_mem>>) src(%dma_wait3A_191 : memref<4096xf32, #tpu.memory_space<vmem>>) dst(%dma_wait3A_186 : memref<4096xf32, #tpu.memory_space<hbm>>)
    %mul3A_192 = arith.constant 4 : i32
    %mul3A_193 = arith.muli %add3A, %mul3A_192 : i32
    %mul3A_194 = arith.constant 1024 : i32
    %mul3A_195 = arith.muli %mul3A_193, %mul3A_194 : i32
    %add3A_196 = arith.constant 25427968 : i32
    %add3A_197 = arith.addi %add3A_196, %mul3A_195 : i32
    %dma_wait3A_198 = arith.constant 0 : i32
    %dma_wait3A_199 = arith.constant 0 : i32
    %dma_wait3A_200 = arith.constant 0 : i32
    %dma_wait3A_201 = tpu.memref_slice %arg7[%dma_wait3A_198, %dma_wait3A_200] : memref<2x16384xf32, #tpu.memory_space<vmem>> -> memref<1x16384xf32, #tpu.memory_space<vmem>>
    %dma_wait3A_202 = tpu.memref_squeeze %dma_wait3A_201 : memref<1x16384xf32, #tpu.memory_space<vmem>> -> memref<16384xf32, #tpu.memory_space<vmem>>
    %dma_wait3A_203 = arith.constant 8192 : i32
    %dma_wait3A_204 = tpu.memref_slice %dma_wait3A_202[%dma_wait3A_203] : memref<16384xf32, #tpu.memory_space<vmem>> -> memref<4096xf32, #tpu.memory_space<vmem>>
    %dma_wait3A_205 = tpu.memref_slice %arg4[%add3A_197] : memref<26214400xf32, #tpu.memory_space<hbm>> -> memref<4096xf32, #tpu.memory_space<hbm>>
    %dma_wait3A_206 = tpu.memref_slice %arg10[%dma_wait3A_199] : memref<2x!tpu.dma_semaphore, #tpu.memory_space<semaphore_mem>> -> memref<1x!tpu.dma_semaphore, #tpu.memory_space<semaphore_mem>>
    %dma_wait3A_207 = tpu.memref_squeeze %dma_wait3A_206 : memref<1x!tpu.dma_semaphore, #tpu.memory_space<semaphore_mem>> -> memref<!tpu.dma_semaphore, #tpu.memory_space<semaphore_mem>>
    %dma_wait3A_208 = tpu.memref_slice %arg4[%add3A_197] : memref<26214400xf32, #tpu.memory_space<hbm>> -> memref<4096xf32, #tpu.memory_space<hbm>>
    %dma_wait3A_209 = arith.constant 0 : i32
    %dma_wait3A_210 = tpu.memref_slice %arg7[%dma_wait3A_198, %dma_wait3A_209] : memref<2x16384xf32, #tpu.memory_space<vmem>> -> memref<1x16384xf32, #tpu.memory_space<vmem>>
    %dma_wait3A_211 = tpu.memref_squeeze %dma_wait3A_210 : memref<1x16384xf32, #tpu.memory_space<vmem>> -> memref<16384xf32, #tpu.memory_space<vmem>>
    %dma_wait3A_212 = arith.constant 8192 : i32
    %dma_wait3A_213 = tpu.memref_slice %dma_wait3A_211[%dma_wait3A_212] : memref<16384xf32, #tpu.memory_space<vmem>> -> memref<4096xf32, #tpu.memory_space<vmem>>
    tpu.wait_dma2 semaphore(%dma_wait3A_207 : memref<!tpu.dma_semaphore, #tpu.memory_space<semaphore_mem>>) src(%dma_wait3A_213 : memref<4096xf32, #tpu.memory_space<vmem>>) dst(%dma_wait3A_208 : memref<4096xf32, #tpu.memory_space<hbm>>)
    %mul3A_214 = arith.constant 4 : i32
    %mul3A_215 = arith.muli %add3A, %mul3A_214 : i32
    %mul3A_216 = arith.constant 1024 : i32
    %mul3A_217 = arith.muli %mul3A_215, %mul3A_216 : i32
    %add3A_218 = arith.constant 25559040 : i32
    %add3A_219 = arith.addi %add3A_218, %mul3A_217 : i32
    %dma_wait3A_220 = arith.constant 0 : i32
    %dma_wait3A_221 = arith.constant 0 : i32
    %dma_wait3A_222 = arith.constant 0 : i32
    %dma_wait3A_223 = tpu.memref_slice %arg7[%dma_wait3A_220, %dma_wait3A_222] : memref<2x16384xf32, #tpu.memory_space<vmem>> -> memref<1x16384xf32, #tpu.memory_space<vmem>>
    %dma_wait3A_224 = tpu.memref_squeeze %dma_wait3A_223 : memref<1x16384xf32, #tpu.memory_space<vmem>> -> memref<16384xf32, #tpu.memory_space<vmem>>
    %dma_wait3A_225 = arith.constant 12288 : i32
    %dma_wait3A_226 = tpu.memref_slice %dma_wait3A_224[%dma_wait3A_225] : memref<16384xf32, #tpu.memory_space<vmem>> -> memref<4096xf32, #tpu.memory_space<vmem>>
    %dma_wait3A_227 = tpu.memref_slice %arg4[%add3A_219] : memref<26214400xf32, #tpu.memory_space<hbm>> -> memref<4096xf32, #tpu.memory_space<hbm>>
    %dma_wait3A_228 = tpu.memref_slice %arg10[%dma_wait3A_221] : memref<2x!tpu.dma_semaphore, #tpu.memory_space<semaphore_mem>> -> memref<1x!tpu.dma_semaphore, #tpu.memory_space<semaphore_mem>>
    %dma_wait3A_229 = tpu.memref_squeeze %dma_wait3A_228 : memref<1x!tpu.dma_semaphore, #tpu.memory_space<semaphore_mem>> -> memref<!tpu.dma_semaphore, #tpu.memory_space<semaphore_mem>>
    %dma_wait3A_230 = tpu.memref_slice %arg4[%add3A_219] : memref<26214400xf32, #tpu.memory_space<hbm>> -> memref<4096xf32, #tpu.memory_space<hbm>>
    %dma_wait3A_231 = arith.constant 0 : i32
    %dma_wait3A_232 = tpu.memref_slice %arg7[%dma_wait3A_220, %dma_wait3A_231] : memref<2x16384xf32, #tpu.memory_space<vmem>> -> memref<1x16384xf32, #tpu.memory_space<vmem>>
    %dma_wait3A_233 = tpu.memref_squeeze %dma_wait3A_232 : memref<1x16384xf32, #tpu.memory_space<vmem>> -> memref<16384xf32, #tpu.memory_space<vmem>>
    %dma_wait3A_234 = arith.constant 12288 : i32
    %dma_wait3A_235 = tpu.memref_slice %dma_wait3A_233[%dma_wait3A_234] : memref<16384xf32, #tpu.memory_space<vmem>> -> memref<4096xf32, #tpu.memory_space<vmem>>
    tpu.wait_dma2 semaphore(%dma_wait3A_229 : memref<!tpu.dma_semaphore, #tpu.memory_space<semaphore_mem>>) src(%dma_wait3A_235 : memref<4096xf32, #tpu.memory_space<vmem>>) dst(%dma_wait3A_230 : memref<4096xf32, #tpu.memory_space<hbm>>)
    %mul3A_236 = arith.constant 4 : i32
    %mul3A_237 = arith.muli %add3A, %mul3A_236 : i32
    %mul3A_238 = arith.constant 1024 : i32
    %mul3A_239 = arith.muli %mul3A_237, %mul3A_238 : i32
    %add3A_240 = arith.constant 25690112 : i32
    %add3A_241 = arith.addi %add3A_240, %mul3A_239 : i32
    %dma_wait3A_242 = arith.constant 1 : i32
    %dma_wait3A_243 = arith.constant 1 : i32
    %dma_wait3A_244 = arith.constant 0 : i32
    %dma_wait3A_245 = tpu.memref_slice %arg7[%dma_wait3A_242, %dma_wait3A_244] : memref<2x16384xf32, #tpu.memory_space<vmem>> -> memref<1x16384xf32, #tpu.memory_space<vmem>>
    %dma_wait3A_246 = tpu.memref_squeeze %dma_wait3A_245 : memref<1x16384xf32, #tpu.memory_space<vmem>> -> memref<16384xf32, #tpu.memory_space<vmem>>
    %dma_wait3A_247 = arith.constant 0 : i32
    %dma_wait3A_248 = tpu.memref_slice %dma_wait3A_246[%dma_wait3A_247] : memref<16384xf32, #tpu.memory_space<vmem>> -> memref<4096xf32, #tpu.memory_space<vmem>>
    %dma_wait3A_249 = tpu.memref_slice %arg4[%add3A_241] : memref<26214400xf32, #tpu.memory_space<hbm>> -> memref<4096xf32, #tpu.memory_space<hbm>>
    %dma_wait3A_250 = tpu.memref_slice %arg10[%dma_wait3A_243] : memref<2x!tpu.dma_semaphore, #tpu.memory_space<semaphore_mem>> -> memref<1x!tpu.dma_semaphore, #tpu.memory_space<semaphore_mem>>
    %dma_wait3A_251 = tpu.memref_squeeze %dma_wait3A_250 : memref<1x!tpu.dma_semaphore, #tpu.memory_space<semaphore_mem>> -> memref<!tpu.dma_semaphore, #tpu.memory_space<semaphore_mem>>
    %dma_wait3A_252 = tpu.memref_slice %arg4[%add3A_241] : memref<26214400xf32, #tpu.memory_space<hbm>> -> memref<4096xf32, #tpu.memory_space<hbm>>
    %dma_wait3A_253 = arith.constant 0 : i32
    %dma_wait3A_254 = tpu.memref_slice %arg7[%dma_wait3A_242, %dma_wait3A_253] : memref<2x16384xf32, #tpu.memory_space<vmem>> -> memref<1x16384xf32, #tpu.memory_space<vmem>>
    %dma_wait3A_255 = tpu.memref_squeeze %dma_wait3A_254 : memref<1x16384xf32, #tpu.memory_space<vmem>> -> memref<16384xf32, #tpu.memory_space<vmem>>
    %dma_wait3A_256 = arith.constant 0 : i32
    %dma_wait3A_257 = tpu.memref_slice %dma_wait3A_255[%dma_wait3A_256] : memref<16384xf32, #tpu.memory_space<vmem>> -> memref<4096xf32, #tpu.memory_space<vmem>>
    tpu.wait_dma2 semaphore(%dma_wait3A_251 : memref<!tpu.dma_semaphore, #tpu.memory_space<semaphore_mem>>) src(%dma_wait3A_257 : memref<4096xf32, #tpu.memory_space<vmem>>) dst(%dma_wait3A_252 : memref<4096xf32, #tpu.memory_space<hbm>>)
    %mul3A_258 = arith.constant 4 : i32
    %mul3A_259 = arith.muli %add3A, %mul3A_258 : i32
    %mul3A_260 = arith.constant 1024 : i32
    %mul3A_261 = arith.muli %mul3A_259, %mul3A_260 : i32
    %add3A_262 = arith.constant 25821184 : i32
    %add3A_263 = arith.addi %add3A_262, %mul3A_261 : i32
    %dma_wait3A_264 = arith.constant 1 : i32
    %dma_wait3A_265 = arith.constant 1 : i32
    %dma_wait3A_266 = arith.constant 0 : i32
    %dma_wait3A_267 = tpu.memref_slice %arg7[%dma_wait3A_264, %dma_wait3A_266] : memref<2x16384xf32, #tpu.memory_space<vmem>> -> memref<1x16384xf32, #tpu.memory_space<vmem>>
    %dma_wait3A_268 = tpu.memref_squeeze %dma_wait3A_267 : memref<1x16384xf32, #tpu.memory_space<vmem>> -> memref<16384xf32, #tpu.memory_space<vmem>>
    %dma_wait3A_269 = arith.constant 4096 : i32
    %dma_wait3A_270 = tpu.memref_slice %dma_wait3A_268[%dma_wait3A_269] : memref<16384xf32, #tpu.memory_space<vmem>> -> memref<4096xf32, #tpu.memory_space<vmem>>
    %dma_wait3A_271 = tpu.memref_slice %arg4[%add3A_263] : memref<26214400xf32, #tpu.memory_space<hbm>> -> memref<4096xf32, #tpu.memory_space<hbm>>
    %dma_wait3A_272 = tpu.memref_slice %arg10[%dma_wait3A_265] : memref<2x!tpu.dma_semaphore, #tpu.memory_space<semaphore_mem>> -> memref<1x!tpu.dma_semaphore, #tpu.memory_space<semaphore_mem>>
    %dma_wait3A_273 = tpu.memref_squeeze %dma_wait3A_272 : memref<1x!tpu.dma_semaphore, #tpu.memory_space<semaphore_mem>> -> memref<!tpu.dma_semaphore, #tpu.memory_space<semaphore_mem>>
    %dma_wait3A_274 = tpu.memref_slice %arg4[%add3A_263] : memref<26214400xf32, #tpu.memory_space<hbm>> -> memref<4096xf32, #tpu.memory_space<hbm>>
    %dma_wait3A_275 = arith.constant 0 : i32
    %dma_wait3A_276 = tpu.memref_slice %arg7[%dma_wait3A_264, %dma_wait3A_275] : memref<2x16384xf32, #tpu.memory_space<vmem>> -> memref<1x16384xf32, #tpu.memory_space<vmem>>
    %dma_wait3A_277 = tpu.memref_squeeze %dma_wait3A_276 : memref<1x16384xf32, #tpu.memory_space<vmem>> -> memref<16384xf32, #tpu.memory_space<vmem>>
    %dma_wait3A_278 = arith.constant 4096 : i32
    %dma_wait3A_279 = tpu.memref_slice %dma_wait3A_277[%dma_wait3A_278] : memref<16384xf32, #tpu.memory_space<vmem>> -> memref<4096xf32, #tpu.memory_space<vmem>>
    tpu.wait_dma2 semaphore(%dma_wait3A_273 : memref<!tpu.dma_semaphore, #tpu.memory_space<semaphore_mem>>) src(%dma_wait3A_279 : memref<4096xf32, #tpu.memory_space<vmem>>) dst(%dma_wait3A_274 : memref<4096xf32, #tpu.memory_space<hbm>>)
    %mul3A_280 = arith.constant 4 : i32
    %mul3A_281 = arith.muli %add3A, %mul3A_280 : i32
    %mul3A_282 = arith.constant 1024 : i32
    %mul3A_283 = arith.muli %mul3A_281, %mul3A_282 : i32
    %add3A_284 = arith.constant 25952256 : i32
    %add3A_285 = arith.addi %add3A_284, %mul3A_283 : i32
    %dma_wait3A_286 = arith.constant 1 : i32
    %dma_wait3A_287 = arith.constant 1 : i32
    %dma_wait3A_288 = arith.constant 0 : i32
    %dma_wait3A_289 = tpu.memref_slice %arg7[%dma_wait3A_286, %dma_wait3A_288] : memref<2x16384xf32, #tpu.memory_space<vmem>> -> memref<1x16384xf32, #tpu.memory_space<vmem>>
    %dma_wait3A_290 = tpu.memref_squeeze %dma_wait3A_289 : memref<1x16384xf32, #tpu.memory_space<vmem>> -> memref<16384xf32, #tpu.memory_space<vmem>>
    %dma_wait3A_291 = arith.constant 8192 : i32
    %dma_wait3A_292 = tpu.memref_slice %dma_wait3A_290[%dma_wait3A_291] : memref<16384xf32, #tpu.memory_space<vmem>> -> memref<4096xf32, #tpu.memory_space<vmem>>
    %dma_wait3A_293 = tpu.memref_slice %arg4[%add3A_285] : memref<26214400xf32, #tpu.memory_space<hbm>> -> memref<4096xf32, #tpu.memory_space<hbm>>
    %dma_wait3A_294 = tpu.memref_slice %arg10[%dma_wait3A_287] : memref<2x!tpu.dma_semaphore, #tpu.memory_space<semaphore_mem>> -> memref<1x!tpu.dma_semaphore, #tpu.memory_space<semaphore_mem>>
    %dma_wait3A_295 = tpu.memref_squeeze %dma_wait3A_294 : memref<1x!tpu.dma_semaphore, #tpu.memory_space<semaphore_mem>> -> memref<!tpu.dma_semaphore, #tpu.memory_space<semaphore_mem>>
    %dma_wait3A_296 = tpu.memref_slice %arg4[%add3A_285] : memref<26214400xf32, #tpu.memory_space<hbm>> -> memref<4096xf32, #tpu.memory_space<hbm>>
    %dma_wait3A_297 = arith.constant 0 : i32
    %dma_wait3A_298 = tpu.memref_slice %arg7[%dma_wait3A_286, %dma_wait3A_297] : memref<2x16384xf32, #tpu.memory_space<vmem>> -> memref<1x16384xf32, #tpu.memory_space<vmem>>
    %dma_wait3A_299 = tpu.memref_squeeze %dma_wait3A_298 : memref<1x16384xf32, #tpu.memory_space<vmem>> -> memref<16384xf32, #tpu.memory_space<vmem>>
    %dma_wait3A_300 = arith.constant 8192 : i32
    %dma_wait3A_301 = tpu.memref_slice %dma_wait3A_299[%dma_wait3A_300] : memref<16384xf32, #tpu.memory_space<vmem>> -> memref<4096xf32, #tpu.memory_space<vmem>>
    tpu.wait_dma2 semaphore(%dma_wait3A_295 : memref<!tpu.dma_semaphore, #tpu.memory_space<semaphore_mem>>) src(%dma_wait3A_301 : memref<4096xf32, #tpu.memory_space<vmem>>) dst(%dma_wait3A_296 : memref<4096xf32, #tpu.memory_space<hbm>>)
    %mul3A_302 = arith.constant 4 : i32
    %mul3A_303 = arith.muli %add3A, %mul3A_302 : i32
    %mul3A_304 = arith.constant 1024 : i32
    %mul3A_305 = arith.muli %mul3A_303, %mul3A_304 : i32
    %add3A_306 = arith.constant 26083328 : i32
    %add3A_307 = arith.addi %add3A_306, %mul3A_305 : i32
    %dma_wait3A_308 = arith.constant 1 : i32
    %dma_wait3A_309 = arith.constant 1 : i32
    %dma_wait3A_310 = arith.constant 0 : i32
    %dma_wait3A_311 = tpu.memref_slice %arg7[%dma_wait3A_308, %dma_wait3A_310] : memref<2x16384xf32, #tpu.memory_space<vmem>> -> memref<1x16384xf32, #tpu.memory_space<vmem>>
    %dma_wait3A_312 = tpu.memref_squeeze %dma_wait3A_311 : memref<1x16384xf32, #tpu.memory_space<vmem>> -> memref<16384xf32, #tpu.memory_space<vmem>>
    %dma_wait3A_313 = arith.constant 12288 : i32
    %dma_wait3A_314 = tpu.memref_slice %dma_wait3A_312[%dma_wait3A_313] : memref<16384xf32, #tpu.memory_space<vmem>> -> memref<4096xf32, #tpu.memory_space<vmem>>
    %dma_wait3A_315 = tpu.memref_slice %arg4[%add3A_307] : memref<26214400xf32, #tpu.memory_space<hbm>> -> memref<4096xf32, #tpu.memory_space<hbm>>
    %dma_wait3A_316 = tpu.memref_slice %arg10[%dma_wait3A_309] : memref<2x!tpu.dma_semaphore, #tpu.memory_space<semaphore_mem>> -> memref<1x!tpu.dma_semaphore, #tpu.memory_space<semaphore_mem>>
    %dma_wait3A_317 = tpu.memref_squeeze %dma_wait3A_316 : memref<1x!tpu.dma_semaphore, #tpu.memory_space<semaphore_mem>> -> memref<!tpu.dma_semaphore, #tpu.memory_space<semaphore_mem>>
    %dma_wait3A_318 = tpu.memref_slice %arg4[%add3A_307] : memref<26214400xf32, #tpu.memory_space<hbm>> -> memref<4096xf32, #tpu.memory_space<hbm>>
    %dma_wait3A_319 = arith.constant 0 : i32
    %dma_wait3A_320 = tpu.memref_slice %arg7[%dma_wait3A_308, %dma_wait3A_319] : memref<2x16384xf32, #tpu.memory_space<vmem>> -> memref<1x16384xf32, #tpu.memory_space<vmem>>
    %dma_wait3A_321 = tpu.memref_squeeze %dma_wait3A_320 : memref<1x16384xf32, #tpu.memory_space<vmem>> -> memref<16384xf32, #tpu.memory_space<vmem>>
    %dma_wait3A_322 = arith.constant 12288 : i32
    %dma_wait3A_323 = tpu.memref_slice %dma_wait3A_321[%dma_wait3A_322] : memref<16384xf32, #tpu.memory_space<vmem>> -> memref<4096xf32, #tpu.memory_space<vmem>>
    tpu.wait_dma2 semaphore(%dma_wait3A_317 : memref<!tpu.dma_semaphore, #tpu.memory_space<semaphore_mem>>) src(%dma_wait3A_323 : memref<4096xf32, #tpu.memory_space<vmem>>) dst(%dma_wait3A_318 : memref<4096xf32, #tpu.memory_space<hbm>>)
    return
  }
}

</mosaic_0001>

<sc_bundles>
// kernel: kernel.3.cloned.1.call-start
scs
__scs_entry_jumppad:
0x0: {  	(pc) =	sbr.rel $0x88, $3  }
0x1: {  	(tag) =	ssettag $0x0;
	lr =	simm.s32 $0x1  }
0x2: {  	[smem:$0x3F9F] =	sst lr;
	_ =	strace $0xD0000000  }
0x3: {  	_ = 	snop  }
0x4: {  	_ = 	snop  }
0x5: {  	_ = 	snop  }
0x6: {  	_ = 	snop  }
0x7: {  	_ = 	snop  }
__scs_overlays_trampoline_lowered:
0x8: {  	[smem:$0x3FAE] =	sst s0  }
0x9: {  	[smem:$0x3FAF] =	sst s1  }
0xa: {  	[smem:$0x3FB0] =	sst s2  }
0xb: {  	[smem:$0x3FB1] =	sst s3  }
0xc: {  	[smem:$0x3FB2] =	sst s4  }
0xd: {  	[smem:$0x3FB3] =	sst s5  }
0xe: {  	[smem:$0x3FB4] =	sst s6  }
0xf: {  	[smem:$0x3FB5] =	sst s7  }
0x10: {  	[smem:$0x3FB6] =	sst s8  }
0x11: {  	[smem:$0x3FB7] =	sst s9;
	s0 =	simm.s32 @!p0 $0x0  }
0x12: {  	s1 =	sld [smem:$0x3F9D];
	s0 =	simm.s32 @p0 $0x1  }
0x13: {  	[smem:$0x3FB8] =	sst s0;
	s0 =	simm.s32 @!p1 $0x0  }
0x14: {  	s2 =	sld [smem:$0x3F9C];
	s0 =	simm.s32 @p1 $0x1  }
0x15: {  	[smem:$0x3FB9] =	sst s0;
	s0 =	simm.s32 @!p2 $0x0  }
0x16: {  	s3 =	sld [smem:$0x3FDB];
	s0 =	simm.s32 @p2 $0x1  }
0x17: {  	s4 =	simm.s32 $0x1BF5;
	[smem:$0x3FBB] =	sst s0  }
0x18: {  	s0 =	sld [smem:$0x3F9E];
	_ =	swait.ge [sflag:s4], $0x0  }
0x19: {  	s7 =	sld [smem:$0x3F9F]  }
0x1a: {  	s8 =	sadd.s32 $0xFFFFE003, lr  }
0x1b: {  	s9 =	sadd.s32 $0xFFFFFEF7, lr;
	s5 =	simm.s32 $0xFFFFFFFF;
	p2 =	slt.u32 s8, $0xFFFFF086  }
0x1c: {  	p1 =	slt.u32 s9, $0xF7A;
	s5 =	simm.s32 @!p2 $0x0  }
0x1d: {  	s5 =	simm.s32 @p1 $0x1;
	p0 =	seq.s32 s7, s2  }
0x1e: {  	s7 =	smul.u32 @!p0 $0xF7A, s2;
	p2 =	seq.s32 @!p0 s5, $0x0  }
0x1f: {  	s9 =	smul.u32 $0xF7A, s1;
	s8 =	simm.s32 @!p0 $0x1BF5;
	p2 =	por !p2, p0  }
0x20: {  	[sflag:s8] =	ssyncset.s32 @!p0 $0xFFFFF086;
	s6 =	sadd.s32 @!p0 s3, s7;
	s7 =	simm.s32 @!p0 $0x108  }
0x21: {  	s3 =	sadd.s32 s3, s9;
	s6 =	sadd.s32 @!p0 $0x88, s6;
	s7 =	simm.s32 @p2 $0x1082  }
0x22: {  	[simem:s7], [sflag:s8] =	dma.local @!p0 [hbm:s6], $0xF7A  }
0x23: {  	s9 =	sor.u32 $0xD0000000, s2;
	s6 =	simm.s32 $0x108;
	_ =	swait.ge @!p0 [sflag:s8], $0x0  }
0x24: {  	s3 =	sadd.s32 $0x88, s3;
	s6 =	simm.s32 @!p1 $0x1082;
	[sflag:s4] =	ssyncset.s32 $0xFFFFF086  }
0x25: {  	[simem:s6], [sflag:s4] =	dma.local [hbm:s3], $0xF7A  }
0x26: {  	[smem:$0x3F9F] =	sst s1;
	(tag) =	ssettag s2;
	_ =	strace s9  }
0x27: {  	s1 =	sld [smem:$0x3FAF]  }
0x28: {  	s2 =	sld [smem:$0x3FB0]  }
0x29: {  	s4 =	sld [smem:$0x3FB2]  }
0x2a: {  	p0 =	seq.s32 s5, $0x0;
	s5 =	sld [smem:$0x3FB3]  }
0x2b: {  	s6 =	sld [smem:$0x3FB4]  }
0x2c: {  	s7 =	sld [smem:$0x3FB5]  }
0x2d: {  	s3 =	simm.s32 $0x108;
	s8 =	sld [smem:$0x3FB6]  }
0x2e: {  	s3 =	simm.s32 @!p0 $0x1082;
	s9 =	sld [smem:$0x3FB7]  }
0x2f: {  	lr =	sadd.s32 s0, s3;
	s0 =	sld [smem:$0x3FAE]  }
0x30: {  	s3 =	sld [smem:$0x3FB1]  }
0x31: {  	[smem:$0x3FBA] =	sst s10  }
0x32: {  	s10 =	sld [smem:$0x3FB8];
	_ =	sdelay $0x3  }
0x33: {  	p0 =	seq.s32 s10, $0x1;
	s10 =	sld [smem:$0x3FBA];
	_ =	sdelay $0x3  }
0x34: {  	[smem:$0x3FBA] =	sst s10  }
0x35: {  	s10 =	sld [smem:$0x3FB9];
	_ =	sdelay $0x3  }
0x36: {  	p1 =	seq.s32 s10, $0x1;
	s10 =	sld [smem:$0x3FBA];
	_ =	sdelay $0x3  }
0x37: {  	[smem:$0x3FBA] =	sst s10  }
0x38: {  	s10 =	sld [smem:$0x3FBB]  }
0x39: {  	_ = 	snop;
	(pc) =	sbr.ind lr, $3  }
0x3a: {  	_ = 	snop  }
0x3b: {  	_ = 	snop  }
0x3c: {  	p2 =	seq.s32 s10, $0x1;
	s10 =	sld [smem:$0x3FBA]  }
0x3d: {  	_ =	shalt  }
0x3e: {  	_ =	shalt  }
0x3f: {  	_ =	shalt  }
0x40: {  	_ =	shalt  }
0x41: {  	_ =	shalt  }
0x42: {  	_ =	shalt  }
0x43: {  	_ =	shalt  }
0x44: {  	_ =	shalt  }
0x45: {  	_ =	shalt  }
0x46: {  	_ =	shalt  }
0x47: {  	_ =	shalt  }
0x48: {  	_ =	shalt  }
0x49: {  	_ =	shalt  }
0x4a: {  	_ =	shalt  }
0x4b: {  	_ =	shalt  }
0x4c: {  	_ =	shalt  }
0x4d: {  	_ =	shalt  }
0x4e: {  	_ =	shalt  }
0x4f: {  	_ =	shalt  }
0x50: {  	_ =	shalt  }
0x51: {  	_ =	shalt  }
0x52: {  	_ =	shalt  }
0x53: {  	_ =	shalt  }
0x54: {  	_ =	shalt  }
0x55: {  	_ =	shalt  }
0x56: {  	_ =	shalt  }
0x57: {  	_ =	shalt  }
0x58: {  	_ =	shalt  }
0x59: {  	_ =	shalt  }
0x5a: {  	_ =	shalt  }
0x5b: {  	_ =	shalt  }
0x5c: {  	_ =	shalt  }
0x5d: {  	_ =	shalt  }
0x5e: {  	_ =	shalt  }
0x5f: {  	_ =	shalt  }
0x60: {  	_ =	shalt  }
0x61: {  	_ =	shalt  }
0x62: {  	_ =	shalt  }
0x63: {  	_ =	shalt  }
0x64: {  	_ =	shalt  }
0x65: {  	_ =	shalt  }
0x66: {  	_ =	shalt  }
0x67: {  	_ =	shalt  }
0x68: {  	_ =	shalt  }
0x69: {  	_ =	shalt  }
0x6a: {  	_ =	shalt  }
0x6b: {  	_ =	shalt  }
0x6c: {  	_ =	shalt  }
0x6d: {  	_ =	shalt  }
0x6e: {  	_ =	shalt  }
0x6f: {  	_ =	shalt  }
0x70: {  	_ =	shalt  }
0x71: {  	_ =	shalt  }
0x72: {  	_ =	shalt  }
0x73: {  	_ =	shalt  }
0x74: {  	_ =	shalt  }
0x75: {  	_ =	shalt  }
0x76: {  	_ =	shalt  }
0x77: {  	_ =	shalt  }
0x78: {  	_ =	shalt  }
0x79: {  	_ =	shalt  }
0x7a: {  	_ =	shalt  }
0x7b: {  	_ =	shalt  }
0x7c: {  	_ =	shalt  }
0x7d: {  	_ =	shalt  }
0x7e: {  	_ =	shalt  }
0x7f: {  	_ =	shalt  }
0x80: {  	_ =	shalt  }
0x81: {  	_ =	shalt  }
0x82: {  	_ =	shalt  }
0x83: {  	_ =	shalt  }
0x84: {  	_ =	shalt  }
0x85: {  	_ =	shalt  }
0x86: {  	_ =	shalt  }
0x87: {  	_ =	shalt  }
.Lfunc_end0:
.L_simem_size_0:
called_computation_lowered:
.L_overlay_start_0:
0x88: {  	s2 =	sld [smem:$0x3FD9]  }
0x89: {  	s3 =	sld [smem:$0x3FFE];
	_ =	sdelay $0x1  }
0x8a: {  	s1 =	srdreg.scid  }
0x8b: {  	s0 =	sand.u32 $0x1, s1  }
0x8c: {  	s17 =	sshll.u32 s0, $0xA;
	s2 =	sadd.s32 s3, s2  }
0x8d: {  	s2 =	sadd.s32 s2, s17  }
0x8e: {  	[smem:$0x3FC6] =	sst s2  }
0x8f: {  	_ = 	snop  }
0x90: {  	s2 =	sld [smem:$0x3FD0];
	(tm) =	ssettm $0x1  }
0x91: {  	s18 =	sld [smem:$0x3FFB];
	_ =	sdelay $0x3  }
0x92: {  	_ =	strace s18  }
0x93: {  	s3 =	sld [smem:$0x3FFC];
	_ =	sdelay $0x3  }
0x94: {  	_ =	strace s3  }
0x95: {  	s3 =	sld [smem:$0x3FFD];
	_ =	sdelay $0x3  }
0x96: {  	_ =	strace s3  }
0x97: {  	_ =	strace $0x8FFFFFFF  }
0x98: {  	s19 =	sld [smem:$0x3FDB];
	_ =	sdelay $0x1  }
0x99: {  	s4 =	simm.s32 $_scs_section_size  }
0x9a: {  	s5 =	simm.s32 $_size__tile_overlayer_lowered;
	s6 =	simm.s32 $_tile_overlayer_lowered  }
0x9b: {  	s22 =	simm.s32 $0x1BFF;
	s21 =	sshll.u32 s6, $0x1;
	s3 =	sadd.s32 s4, s19  }
0x9c: {  	s7 =	simm.s32 $0x0;
	s20 =	sshll.u32 s5, $0x1;
	s5 =	sadd.s32 s21, s3  }
0x9d: {  	[timem:s7], [sflag:s22] =	dma.local [hbm:s5], s20  }
0x9e: {  	_ =	swait.ge [sflag:s22], s20  }
0x9f: {  	s4 =	ssub.s32 $0x0, s20;
	[sflag:s22] =	ssyncset.done $0x0  }
0xa0: {  	[sflag:s22] =	ssyncadd.s32 s4;
	_ =	sdelay $0x1  }
0xa1: {  	s23 =	simm.s32 $0x1B8B  }
0xa2: {  	_ =	swait.ge [sflag:s23], $0x1  }
0xa3: {  	[sflag:s23] =	ssyncset.done $0x0  }
0xa4: {  	s25 =	simm.s32 $0x1B8E;
	s24 =	sld [smem:$0x3FFE];
	[sflag:s23] =	ssyncadd.s32 $0xFFFFFFFF  }
0xa5: {  	s26 =	simm.s32 $execute0_lowered;
	[smem:$0x3FD2] =	sst s25  }
0xa6: {  	s5 =	sshll.u32 s26, $0x1;
	_ =	strace $0x80000046;
	[dreg:$0x1] =	wrdreg $0xFFFFFFFF  }
0xa7: {  	s28 =	simm.s32 $_size_execute0_lowered;
	s3 =	sadd.s32 s3, s5;
	[dreg:$0x0] =	wrdreg $0x0  }
0xa8: {  	s5 =	sshll.u32 s28, $0x1;
	[dreg:$0x2] =	wrdreg s3  }
0xa9: {  	[dreg:$0x3] =	wrdreg s5  }
0xaa: {  	[dreg:$0x4] =	wrdreg $0xC0  }
0xab: {  	_ =	task [dreg:s7], $0x5FFFF  }
0xac: {  	[dreg:$0x1] =	wrdreg $0xFFFFFFFF  }
0xad: {  	[dreg:$0x0] =	wrdreg $0x60  }
0xae: {  	[dreg:$0x2] =	wrdreg s24  }
0xaf: {  	[dreg:$0x3] =	wrdreg s2  }
0xb0: {  	[dreg:$0x4] =	wrdreg $0x9  }
0xb1: {  	_ =	task.clear_ibuf [dreg:s7], $0x5FFFF;
	_ =	strace $0x90000046  }
0xb2: {  	s29 =	simm.s32 $0x9;
	_ =	strace $0x80000048  }
0xb3: {  	_ =	swait.ge [sflag:s29], $0x1  }
0xb4: {  	[sflag:s29] =	ssyncadd.s32 $0xFFFFFFFF  }
0xb5: {  	_ =	strace $0x90000048  }
0xb6: {  	_ =	sfence  }
0xb7: {  	s30 =	sld [smem:$0x0];
	_ =	sdelay $0x2  }
0xb8: {  	s31 =	sshll.u32 s1, $0xD;
	s1 =	sshrl.u32 s1, $0x2  }
0xb9: {  	s3 =	sand.u32 $0x4000, s31;
	s1 =	sadd.s32 s1, s30  }
0xba: {  	s0 =	sor.u32 s3, s0;
	s1 =	sshll.u32 s1, $0x11  }
0xbb: {  	s0 =	sor.u32 s1, s0  }
0xbc: {  	s0 =	sadd.s32 $0x8F2B, s0  }
0xbd: {  	[sflag:s0] =	ssyncadd.remote.s32 $0x1  }
0xbe: {  	_ =	sfence.sel $0xFFFF  }
0xbf: {  	[dreg:$0x0] =	wrdreg $0xFFFFFFFF;
	(pc) =	sbr.abs _section_cstart, $3  }
0xc0: {  	[dreg:$0x1] =	wrdreg $0xFFFFFFFF  }
0xc1: {  	_ =	task.clear_ibuf [dreg:s7], $0x2FFFF;
	_ =	strace $0x9FFFFFFF  }
0xc2: {  	(tm) =	ssettm $0x7FFFFFFF  }
0xc3: {  	_ =	shalt  }
tec
execute0_lowered:
.L_overlay_start_1:
0x0: {  	(tag) =	ssettag $0x1  }
0x1: {  	v0 =	vimm.s32 $0x1380;
	vm0 =	vcmask $0x300;
	v1 =	vimm.s32 $0x3380  }
0x2: {  	vm1 =	vcmask $0x704;
	v0 =	vsel vm0, $0x0, v0;
	v1 =	vsel vm0, $0x2000, v1  }
0x3: {  	s0 =	rddreg [dreg:$0x0];
	vm15 =	vcmask $0xB08;
	v0 =	vsel vm1, $0x80, v0;
	v1 =	vsel vm1, $0x2080, v1  }
0x4: {  	s1 =	rddreg [dreg:$0x1];
	s2 =	srdreg.scid;
	vm4 =	vcmask $0xF0C;
	v0 =	vsel vm15, $0x100, v0;
	v1 =	vsel vm15, $0x2100, v1  }
0x5: {  	s4 =	stileid.u32;
	s3 =	simm.s32 $0x0;
	vm5 =	vcmask $0x1310;
	s11 =	simm.s32 $0x200;
	v0 =	vsel vm4, $0x180, v0;
	v1 =	vsel vm4, $0x2180, v1  }
0x6: {  	vm6 =	vcmask $0x1714;
	s14 =	simm.s32 $0x6400;
	s15 =	simm.s32 $0xA400;
	s16 =	simm.s32 $0x2;
	v0 =	vsel vm5, $0x200, v0;
	v1 =	vsel vm5, $0x2200, v1  }
0x7: {  	vm7 =	vcmask $0x1B18;
	s17 =	simm.s32 $0xE400;
	s18 =	simm.s32 $0xF400;
	s19 =	simm.s32 $0x10400;
	v0 =	vsel vm6, $0x280, v0;
	v1 =	vsel vm6, $0x2280, v1  }
0x8: {  	vm8 =	vcmask $0x1F1C;
	s20 =	simm.s32 $0x11400;
	s21 =	simm.s32 $0x3;
	s22 =	simm.s32 $0x5;
	v0 =	vsel vm7, $0x300, v0;
	v1 =	vsel vm7, $0x2300, v1  }
0x9: {  	vm9 =	vcmask $0x2320;
	s23 =	simm.s32 $0x12400;
	s24 =	simm.s32 $0x13400;
	s25 =	simm.s32 $0x14400;
	v0 =	vsel vm8, $0x380, v0;
	v1 =	vsel vm8, $0x2380, v1  }
0xa: {  	vm10 =	vcmask $0x2724;
	s26 =	simm.s32 $0x15400;
	s2 =	sand.u32 $0x1, s2;
	s4 =	sshll.u32 s4, $0x1;
	v0 =	vsel vm9, $0x1000, v0;
	v1 =	vsel vm9, $0x3000, v1  }
0xb: {  	vm11 =	vcmask $0x2B28;
	s29 =	simm.s32 $0x0;
	[smem:$0x7FF] =	sst s3;
	s5 =	sor.u32 s2, s4;
	v0 =	vsel vm10, $0x1080, v0;
	v1 =	vsel vm10, $0x3080, v1  }
0xc: {  	vm12 =	vcmask $0x2F2C;
	s8 =	sadd.s32 $0x8000, s1;
	s2 =	ssub.s32 $0x2, s2;
	s4 =	sshll.u32 s5, $0x6;
	v0 =	vsel vm11, $0x1100, v0;
	v1 =	vsel vm11, $0x3100, v1  }
0xd: {  	vm13 =	vcmask $0x3330;
	s9 =	sadd.s32 $0xC000, s1;
	s6 =	sshrl.u32 s2, $0x1;
	s7 =	sadd.s32 s4, s0;
	v0 =	vsel vm12, $0x1180, v0;
	v1 =	vsel vm12, $0x3180, v1  }
0xe: {  	vm14 =	vcmask $0x3734;
	_ =	strace $0x80000047;
	s30 =	ssub.s32 s2, s6;
	s31 =	sadd.s32 $0x600, s7;
	v0 =	vsel vm13, $0x1200, v0;
	v1 =	vsel vm13, $0x3200, v1  }
0xf: {  	vm15 =	vcmask $0x3B38;
	s4 =	sadd.s32 $0xF42A00, s0;
	s0 =	smax.u32 s30, $0x1;
	[dreg:$0x3] =	wrdreg s31;
	v0 =	vsel vm14, $0x1280, v0;
	v1 =	vsel vm14, $0x3280, v1  }
0x10: {  	s6 =	sshll.u32 s5, $0xC;
	s7 =	sadd.s32 $0x4000, s1;
	[dreg:$0x4] =	wrdreg s0;
	v0 =	vsel vm15, $0x1300, v0;
	v1 =	vsel vm15, $0x3300, v1  }
.LBB2_1:
0x11: {  	s0 =	rddreg [dreg:$0x3];
	s2 =	simm.s32 $0x4000;
	s31 =	simm.s32 $0x1  }
0x12: {  	[tilespmem:s3], [sflag:$0x1] =	stream.strided.gather [hbm4b:s0+s11], $0x6400, s2, s11, $0x38;
	[tilespmem:$0x16400] =	vst v63  }
0x13: {  	_ =	swait.ge [sflag:s31], $0x6400  }
0x14: {  	[sflag:s31] =	ssyncset.done $0x0  }
0x15: {  	s30 =	simm.s32 $0x0;
	[sflag:s31] =	ssyncadd.s32 $0xFFFF9C00  }
0x16: {  	[tilespmem:s14], [sflag:$0x2] =	stream.indirect.gather [hbm4b:s4+s11], $0x20, s3, s11, $0xb8;
	[tilespmem:$0x16400] =	vst v63  }
.LBB2_2:
0x17: {  	s31 =	sshllo.u32 s30, $0x1  }
0x18: {  	s0 =	sshll.u32 s31, $0x9  }
0x19: {  	s0 =	sand.u32 $0x3FFFFE00, s0  }
0x1a: {  	[tilespmem:s15], [sflag:$0x3] =	stream.indirect.gather [hbm4b:s4+s11], $0x20, s0, s11, $0xb8;
	[tilespmem:$0x16400] =	vst v63  }
0x1b: {  	_ =	swait.ge [sflag:s16], $0x4000  }
0x1c: {  	p0 =	seq.s32 s30, $0x0;
	[sflag:s16] =	ssyncset.done $0x0  }
0x1d: {  	s0 =	simm.s32 @!p0 $0x4;
	[sflag:s16] =	ssyncadd.s32 $0xFFFFC000  }
0x1e: {  	_ =	swait.ge @!p0 [sflag:s0], $0x1000  }
0x1f: {  	[sflag:s0] =	ssyncset.done @!p0 $0x0  }
0x20: {  	[sflag:s0] =	ssyncadd.s32 @!p0 $0xFFFFF000  }
0x21: {  	_ =	swait.ge @!p0 [sflag:s0], $0x1000  }
0x22: {  	[sflag:s0] =	ssyncset.done @!p0 $0x0  }
0x23: {  	[sflag:s0] =	ssyncadd.s32 @!p0 $0xFFFFF000  }
0x24: {  	_ =	swait.ge @!p0 [sflag:s0], $0x1000  }
0x25: {  	[sflag:s0] =	ssyncset.done @!p0 $0x0  }
0x26: {  	[sflag:s0] =	ssyncadd.s32 @!p0 $0xFFFFF000  }
0x27: {  	_ =	swait.ge @!p0 [sflag:s0], $0x1000  }
0x28: {  	s10 =	simm.s32 $0x6480;
	[sflag:s0] =	ssyncset.done @!p0 $0x0  }
0x29: {  	s12 =	simm.s32 $0x0;
	[sflag:s0] =	ssyncadd.s32 @!p0 $0xFFFFF000;
	s0 =	simm.s32 $0x0  }
.LBB2_3:
0x2a: {  	s2 =	sshll.u32 s12, $0xA;
	v4 =	vld [tilespmem:s10+$0xFFFFFF80]  }
0x2b: {  	v5 =	vld [tilespmem:s10+$0xFFFFFF90];
	v2 =	vor.u32 s2, v0  }
0x2c: {  	v3 =	vor.u32 s2, v1;
	v6 =	vor.u32 s0, v2  }
0x2d: {  	v7 =	vor.u32 s0, v3;
	_ =	sdelay $0x1  }
0x2e: {  	v4 =	vmul.f32 $5.656854150e+00, v4  }
0x2f: {  	v5 =	vmul.f32 $5.656854150e+00, v5  }
0x30: {  	[tilespmem:v6+s17+$0x0] =	vst.idx.msk $0xffff, v4  }
0x31: {  	[tilespmem:v7+s17+$0x0] =	vst.idx.msk $0xffff, v5  }
0x32: {  	v4 =	vld [tilespmem:s10+$0xFFFFFFA0]  }
0x33: {  	s28 =	simm.s32 $0x1;
	v5 =	vld [tilespmem:s10+$0xFFFFFFB0]  }
0x34: {  	v6 =	vor.u32 s28, v2  }
0x35: {  	v7 =	vor.u32 s28, v3;
	_ =	sdelay $0x1  }
0x36: {  	v4 =	vmul.f32 $5.656854150e+00, v4  }
0x37: {  	v5 =	vmul.f32 $5.656854150e+00, v5  }
0x38: {  	[tilespmem:v6+s17+$0x0] =	vst.idx.msk $0xffff, v4  }
0x39: {  	[tilespmem:v7+s17+$0x0] =	vst.idx.msk $0xffff, v5  }
0x3a: {  	v4 =	vld [tilespmem:s10+$0xFFFFFFC0]  }
0x3b: {  	s5 =	simm.s32 $0x2;
	v5 =	vld [tilespmem:s10+$0xFFFFFFD0]  }
0x3c: {  	v6 =	vor.u32 s5, v2  }
0x3d: {  	v7 =	vor.u32 s5, v3;
	_ =	sdelay $0x1  }
0x3e: {  	v4 =	vmul.f32 $5.656854150e+00, v4  }
0x3f: {  	v5 =	vmul.f32 $5.656854150e+00, v5  }
0x40: {  	[tilespmem:v6+s17+$0x0] =	vst.idx.msk $0xffff, v4  }
0x41: {  	[tilespmem:v7+s17+$0x0] =	vst.idx.msk $0xffff, v5  }
0x42: {  	v4 =	vld [tilespmem:s10+$0xFFFFFFE0]  }
0x43: {  	s13 =	simm.s32 $0x3;
	v5 =	vld [tilespmem:s10+$0xFFFFFFF0]  }
0x44: {  	v6 =	vor.u32 s13, v2  }
0x45: {  	v7 =	vor.u32 s13, v3;
	_ =	sdelay $0x1  }
0x46: {  	v4 =	vmul.f32 $5.656854150e+00, v4  }
0x47: {  	v5 =	vmul.f32 $5.656854150e+00, v5  }
0x48: {  	[tilespmem:v6+s17+$0x0] =	vst.idx.msk $0xffff, v4  }
0x49: {  	[tilespmem:v7+s17+$0x0] =	vst.idx.msk $0xffff, v5  }
0x4a: {  	v4 =	vld [tilespmem:s10+$0x0]  }
0x4b: {  	s28 =	simm.s32 $0x4;
	v5 =	vld [tilespmem:s10+$0x10]  }
0x4c: {  	v6 =	vor.u32 s28, v2  }
0x4d: {  	v7 =	vor.u32 s28, v3;
	_ =	sdelay $0x1  }
0x4e: {  	v4 =	vmul.f32 $5.656854150e+00, v4  }
0x4f: {  	v5 =	vmul.f32 $5.656854150e+00, v5  }
0x50: {  	[tilespmem:v6+s17+$0x0] =	vst.idx.msk $0xffff, v4  }
0x51: {  	[tilespmem:v7+s17+$0x0] =	vst.idx.msk $0xffff, v5  }
0x52: {  	v4 =	vld [tilespmem:s10+$0x20]  }
0x53: {  	s5 =	simm.s32 $0x5;
	v5 =	vld [tilespmem:s10+$0x30]  }
0x54: {  	v6 =	vor.u32 s5, v2  }
0x55: {  	v7 =	vor.u32 s5, v3;
	_ =	sdelay $0x1  }
0x56: {  	v4 =	vmul.f32 $5.656854150e+00, v4  }
0x57: {  	v5 =	vmul.f32 $5.656854150e+00, v5  }
0x58: {  	[tilespmem:v6+s17+$0x0] =	vst.idx.msk $0xffff, v4  }
0x59: {  	[tilespmem:v7+s17+$0x0] =	vst.idx.msk $0xffff, v5  }
0x5a: {  	v4 =	vld [tilespmem:s10+$0x40]  }
0x5b: {  	s13 =	simm.s32 $0x6;
	v5 =	vld [tilespmem:s10+$0x50]  }
0x5c: {  	v6 =	vor.u32 s13, v2  }
0x5d: {  	v7 =	vor.u32 s13, v3;
	_ =	sdelay $0x1  }
0x5e: {  	v4 =	vmul.f32 $5.656854150e+00, v4  }
0x5f: {  	v5 =	vmul.f32 $5.656854150e+00, v5  }
0x60: {  	[tilespmem:v6+s17+$0x0] =	vst.idx.msk $0xffff, v4  }
0x61: {  	[tilespmem:v7+s17+$0x0] =	vst.idx.msk $0xffff, v5  }
0x62: {  	v4 =	vld [tilespmem:s10+$0x60];
	_ =	sdelay $0x1  }
0x63: {  	s28 =	simm.s32 $0x7  }
0x64: {  	v6 =	vor.u32 s28, v2;
	v5 =	vld [tilespmem:s10+$0x70];
	_ =	sdelay $0x1  }
0x65: {  	v7 =	vmul.f32 $5.656854150e+00, v4;
	v4 =	vor.u32 s28, v3;
	_ =	sdelay $0x2  }
0x66: {  	s2 =	smov.u32 s10;
	s5 =	simm.s32 $0x8;
	v5 =	vmul.f32 $5.656854150e+00, v5;
	[tilespmem:v6+s17+$0x0] =	vst.idx.msk $0xffff, v7  }
.LBB2_4:
0x67: {  	p1 =	slt.u32 s5, $0x78  }
0x68: {  	[tilespmem:v4+s17+$0x0] =	vst.idx.msk $0xffff, v5;
	s2 =	sadd.s32 $0x100, s2;
	s13 =	smov.u32 s5;
	s5 =	sadd.s32 $0x8, s5  }
0x69: {  	v4 =	vld [tilespmem:s2+$0xFFFFFF80]  }
0x6a: {  	v5 =	vld [tilespmem:s2+$0xFFFFFF90]  }
0x6b: {  	v6 =	vor.u32 s13, v2  }
0x6c: {  	v7 =	vor.u32 s13, v3;
	_ =	sdelay $0x1  }
0x6d: {  	v4 =	vmul.f32 $5.656854150e+00, v4  }
0x6e: {  	v5 =	vmul.f32 $5.656854150e+00, v5  }
0x6f: {  	[tilespmem:v6+s17+$0x0] =	vst.idx.msk $0xffff, v4  }
0x70: {  	[tilespmem:v7+s17+$0x0] =	vst.idx.msk $0xffff, v5  }
0x71: {  	v4 =	vld [tilespmem:s2+$0xFFFFFFA0]  }
0x72: {  	s28 =	sadd.s32 $0x1, s13;
	v5 =	vld [tilespmem:s2+$0xFFFFFFB0]  }
0x73: {  	v6 =	vor.u32 s28, v2  }
0x74: {  	v7 =	vor.u32 s28, v3;
	_ =	sdelay $0x1  }
0x75: {  	v4 =	vmul.f32 $5.656854150e+00, v4  }
0x76: {  	v5 =	vmul.f32 $5.656854150e+00, v5  }
0x77: {  	[tilespmem:v6+s17+$0x0] =	vst.idx.msk $0xffff, v4  }
0x78: {  	[tilespmem:v7+s17+$0x0] =	vst.idx.msk $0xffff, v5  }
0x79: {  	v4 =	vld [tilespmem:s2+$0xFFFFFFC0]  }
0x7a: {  	s28 =	sadd.s32 $0x2, s13;
	v5 =	vld [tilespmem:s2+$0xFFFFFFD0]  }
0x7b: {  	v6 =	vor.u32 s28, v2  }
0x7c: {  	v7 =	vor.u32 s28, v3;
	_ =	sdelay $0x1  }
0x7d: {  	v4 =	vmul.f32 $5.656854150e+00, v4  }
0x7e: {  	v5 =	vmul.f32 $5.656854150e+00, v5  }
0x7f: {  	[tilespmem:v6+s17+$0x0] =	vst.idx.msk $0xffff, v4  }
0x80: {  	[tilespmem:v7+s17+$0x0] =	vst.idx.msk $0xffff, v5  }
0x81: {  	v4 =	vld [tilespmem:s2+$0xFFFFFFE0]  }
0x82: {  	s28 =	sadd.s32 $0x3, s13;
	v5 =	vld [tilespmem:s2+$0xFFFFFFF0]  }
0x83: {  	v6 =	vor.u32 s28, v2  }
0x84: {  	v7 =	vor.u32 s28, v3;
	_ =	sdelay $0x1  }
0x85: {  	v4 =	vmul.f32 $5.656854150e+00, v4  }
0x86: {  	v5 =	vmul.f32 $5.656854150e+00, v5  }
0x87: {  	[tilespmem:v6+s17+$0x0] =	vst.idx.msk $0xffff, v4  }
0x88: {  	[tilespmem:v7+s17+$0x0] =	vst.idx.msk $0xffff, v5  }
0x89: {  	v4 =	vld [tilespmem:s2+$0x0]  }
0x8a: {  	s28 =	sadd.s32 $0x4, s13;
	v5 =	vld [tilespmem:s2+$0x10]  }
0x8b: {  	v6 =	vor.u32 s28, v2  }
0x8c: {  	v7 =	vor.u32 s28, v3;
	_ =	sdelay $0x1  }
0x8d: {  	v4 =	vmul.f32 $5.656854150e+00, v4  }
0x8e: {  	v5 =	vmul.f32 $5.656854150e+00, v5  }
0x8f: {  	[tilespmem:v6+s17+$0x0] =	vst.idx.msk $0xffff, v4  }
0x90: {  	[tilespmem:v7+s17+$0x0] =	vst.idx.msk $0xffff, v5  }
0x91: {  	v4 =	vld [tilespmem:s2+$0x20]  }
0x92: {  	s28 =	sadd.s32 $0x5, s13;
	v5 =	vld [tilespmem:s2+$0x30]  }
0x93: {  	v6 =	vor.u32 s28, v2  }
0x94: {  	v7 =	vor.u32 s28, v3;
	_ =	sdelay $0x1  }
0x95: {  	v4 =	vmul.f32 $5.656854150e+00, v4  }
0x96: {  	v5 =	vmul.f32 $5.656854150e+00, v5  }
0x97: {  	[tilespmem:v6+s17+$0x0] =	vst.idx.msk $0xffff, v4  }
0x98: {  	[tilespmem:v7+s17+$0x0] =	vst.idx.msk $0xffff, v5  }
0x99: {  	v4 =	vld [tilespmem:s2+$0x40]  }
0x9a: {  	s28 =	sadd.s32 $0x6, s13;
	v5 =	vld [tilespmem:s2+$0x50]  }
0x9b: {  	v6 =	vor.u32 s28, v2  }
0x9c: {  	v7 =	vor.u32 s28, v3;
	_ =	sdelay $0x1  }
0x9d: {  	v4 =	vmul.f32 $5.656854150e+00, v4  }
0x9e: {  	v5 =	vmul.f32 $5.656854150e+00, v5  }
0x9f: {  	[tilespmem:v6+s17+$0x0] =	vst.idx.msk $0xffff, v4  }
0xa0: {  	[tilespmem:v7+s17+$0x0] =	vst.idx.msk $0xffff, v5  }
0xa1: {  	v5 =	vld [tilespmem:s2+$0x60]  }
0xa2: {  	s13 =	sadd.s32 $0x7, s13;
	v6 =	vld [tilespmem:s2+$0x70]  }
0xa3: {  	v7 =	vor.u32 s13, v2  }
.Ltmp0:
0xa4: {  	v4 =	vor.u32 s13, v3;
	(pc) =	sbr.rel @p1 .LBB2_4-.Ltmp0, $4  }
0xa5: {  	_ = 	snop  }
0xa6: {  	v8 =	vmul.f32 $5.656854150e+00, v5  }
0xa7: {  	v5 =	vmul.f32 $5.656854150e+00, v6  }
0xa8: {  	[tilespmem:v7+s17+$0x0] =	vst.idx.msk $0xffff, v8  }
0xa9: {  	s12 =	sadd.s32 $0x1, s12  }
0xaa: {  	p1 =	sne.s32 s12, $0x4  }
.Ltmp1:
0xab: {  	_ = 	snop;
	(pc) =	sbr.rel @p1 .LBB2_3-.Ltmp1, $2  }
0xac: {  	_ =	sdelay $0x2  }
0xad: {  	[tilespmem:v4+s17+$0x0] =	vst.idx.msk $0xffff, v5;
	s10 =	sadd.s32 $0x1000, s10  }
0xae: {  	s0 =	sshll.u32 s30, $0x14  }
0xaf: {  	s0 =	sor.u32 s6, s0  }
0xb0: {  	s0 =	sshrl.u32 s0, $0x3  }
0xb1: {  	s2 =	sadd.s32 s1, s0  }
0xb2: {  	[hbm4b:s2+s3] =	stream.linear.scatter [tilespmem:s17], [sflag:$0x4], $0x1000, $0x38;
	[tilespmem:$0x16400] =	vst v63  }
0xb3: {  	p1 =	sne.s32 s30, $0x18;
	s13 =	sadd.s32 s0, s7  }
0xb4: {  	[hbm4b:s13+s3] =	stream.linear.scatter [tilespmem:s18], [sflag:$0x4], $0x1000, $0x38;
	[tilespmem:$0x16400] =	vst v63  }
.Ltmp2:
0xb5: {  	_ = 	snop;
	(pc) =	sbr.rel @p1 .LBB2_8-.Ltmp2, $4  }
0xb6: {  	s28 =	sadd.s32 s0, s8  }
0xb7: {  	[hbm4b:s28+s3] =	stream.linear.scatter [tilespmem:s19], [sflag:$0x4], $0x1000, $0x38;
	[tilespmem:$0x16400] =	vst v63  }
0xb8: {  	s0 =	sadd.s32 s0, s9  }
0xb9: {  	[hbm4b:s0+s3] =	stream.linear.scatter [tilespmem:s20], [sflag:$0x4], $0x1000, $0x38;
	[tilespmem:$0x16400] =	vst v63  }
.Ltmp3:
0xba: {  	(pc) =	sbr.rel .LBB2_9-.Ltmp3, $4  }
0xbb: {  	_ = 	snop  }
0xbc: {  	_ =	swait.ge [sflag:s21], $0x4000  }
0xbd: {  	[sflag:s21] =	ssyncset.done $0x0  }
0xbe: {  	[sflag:s21] =	ssyncadd.s32 $0xFFFFC000  }
.LBB2_8:
0xbf: {  	s0 =	sshll.u32 s30, $0xA  }
0xc0: {  	s0 =	sand.u32 $0x3FFFFC00, s0  }
.Ltmp4:
0xc1: {  	s0 =	sadd.s32 $0x400, s0;
	(pc) =	sbr.rel @p0 .LBB2_10-.Ltmp4, $4  }
0xc2: {  	[tilespmem:s14], [sflag:$0x2] =	stream.indirect.gather [hbm4b:s4+s11], $0x20, s0, s11, $0xb8;
	[tilespmem:$0x16400] =	vst v63  }
0xc3: {  	_ =	swait.ge [sflag:s21], $0x4000  }
0xc4: {  	[sflag:s21] =	ssyncset.done $0x0  }
0xc5: {  	[sflag:s21] =	ssyncadd.s32 $0xFFFFC000  }
.LBB2_9:
0xc6: {  	_ =	swait.ge [sflag:s22], $0x1000  }
0xc7: {  	[sflag:s22] =	ssyncset.done $0x0  }
0xc8: {  	[sflag:s22] =	ssyncadd.s32 $0xFFFFF000  }
0xc9: {  	_ =	swait.ge [sflag:s22], $0x1000  }
0xca: {  	[sflag:s22] =	ssyncset.done $0x0  }
0xcb: {  	[sflag:s22] =	ssyncadd.s32 $0xFFFFF000  }
0xcc: {  	_ =	swait.ge [sflag:s22], $0x1000  }
0xcd: {  	[sflag:s22] =	ssyncset.done $0x0  }
0xce: {  	[sflag:s22] =	ssyncadd.s32 $0xFFFFF000  }
0xcf: {  	_ =	swait.ge [sflag:s22], $0x1000  }
0xd0: {  	[sflag:s22] =	ssyncset.done $0x0  }
0xd1: {  	[sflag:s22] =	ssyncadd.s32 $0xFFFFF000  }
.LBB2_10:
0xd2: {  	s0 =	simm.s32 $0x0;
	s2 =	simm.s32 $0xA4F0;
	s12 =	simm.s32 $0x0  }
.LBB2_11:
0xd3: {  	s5 =	sshll.u32 s12, $0xA;
	v4 =	vld [tilespmem:s2+$0xFFFFFF10]  }
0xd4: {  	v5 =	vld [tilespmem:s2+$0xFFFFFF20];
	v2 =	vor.u32 s5, v0  }
0xd5: {  	v3 =	vor.u32 s5, v1;
	v6 =	vor.u32 s0, v2  }
0xd6: {  	v7 =	vor.u32 s0, v3;
	_ =	sdelay $0x1  }
0xd7: {  	v4 =	vmul.f32 $5.656854150e+00, v4  }
0xd8: {  	v5 =	vmul.f32 $5.656854150e+00, v5  }
0xd9: {  	[tilespmem:v6+s23+$0x0] =	vst.idx.msk $0xffff, v4  }
0xda: {  	[tilespmem:v7+s23+$0x0] =	vst.idx.msk $0xffff, v5  }
0xdb: {  	v4 =	vld [tilespmem:s2+$0xFFFFFF30]  }
0xdc: {  	s10 =	simm.s32 $0x1;
	v5 =	vld [tilespmem:s2+$0xFFFFFF40]  }
0xdd: {  	v6 =	vor.u32 s10, v2  }
0xde: {  	v7 =	vor.u32 s10, v3;
	_ =	sdelay $0x1  }
0xdf: {  	v4 =	vmul.f32 $5.656854150e+00, v4  }
0xe0: {  	v5 =	vmul.f32 $5.656854150e+00, v5  }
0xe1: {  	[tilespmem:v6+s23+$0x0] =	vst.idx.msk $0xffff, v4  }
0xe2: {  	[tilespmem:v7+s23+$0x0] =	vst.idx.msk $0xffff, v5  }
0xe3: {  	v4 =	vld [tilespmem:s2+$0xFFFFFF50]  }
0xe4: {  	s13 =	simm.s32 $0x2;
	v5 =	vld [tilespmem:s2+$0xFFFFFF60]  }
0xe5: {  	v6 =	vor.u32 s13, v2  }
0xe6: {  	v7 =	vor.u32 s13, v3;
	_ =	sdelay $0x1  }
0xe7: {  	v4 =	vmul.f32 $5.656854150e+00, v4  }
0xe8: {  	v5 =	vmul.f32 $5.656854150e+00, v5  }
0xe9: {  	[tilespmem:v6+s23+$0x0] =	vst.idx.msk $0xffff, v4  }
0xea: {  	[tilespmem:v7+s23+$0x0] =	vst.idx.msk $0xffff, v5  }
0xeb: {  	v4 =	vld [tilespmem:s2+$0xFFFFFF70]  }
0xec: {  	s28 =	simm.s32 $0x3;
	v5 =	vld [tilespmem:s2+$0xFFFFFF80]  }
0xed: {  	v6 =	vor.u32 s28, v2  }
0xee: {  	v7 =	vor.u32 s28, v3;
	_ =	sdelay $0x1  }
0xef: {  	v4 =	vmul.f32 $5.656854150e+00, v4  }
0xf0: {  	v5 =	vmul.f32 $5.656854150e+00, v5  }
0xf1: {  	[tilespmem:v6+s23+$0x0] =	vst.idx.msk $0xffff, v4  }
0xf2: {  	[tilespmem:v7+s23+$0x0] =	vst.idx.msk $0xffff, v5  }
0xf3: {  	v4 =	vld [tilespmem:s2+$0xFFFFFF90]  }
0xf4: {  	s10 =	simm.s32 $0x4;
	v5 =	vld [tilespmem:s2+$0xFFFFFFA0]  }
0xf5: {  	v6 =	vor.u32 s10, v2  }
0xf6: {  	v7 =	vor.u32 s10, v3;
	_ =	sdelay $0x1  }
0xf7: {  	v4 =	vmul.f32 $5.656854150e+00, v4  }
0xf8: {  	v5 =	vmul.f32 $5.656854150e+00, v5  }
0xf9: {  	[tilespmem:v6+s23+$0x0] =	vst.idx.msk $0xffff, v4  }
0xfa: {  	[tilespmem:v7+s23+$0x0] =	vst.idx.msk $0xffff, v5  }
0xfb: {  	v4 =	vld [tilespmem:s2+$0xFFFFFFB0]  }
0xfc: {  	s13 =	simm.s32 $0x5;
	v5 =	vld [tilespmem:s2+$0xFFFFFFC0]  }
0xfd: {  	v6 =	vor.u32 s13, v2  }
0xfe: {  	v7 =	vor.u32 s13, v3;
	_ =	sdelay $0x1  }
0xff: {  	v4 =	vmul.f32 $5.656854150e+00, v4  }
0x100: {  	v5 =	vmul.f32 $5.656854150e+00, v5  }
0x101: {  	[tilespmem:v6+s23+$0x0] =	vst.idx.msk $0xffff, v4  }
0x102: {  	[tilespmem:v7+s23+$0x0] =	vst.idx.msk $0xffff, v5  }
0x103: {  	v4 =	vld [tilespmem:s2+$0xFFFFFFD0]  }
0x104: {  	s28 =	simm.s32 $0x6;
	v5 =	vld [tilespmem:s2+$0xFFFFFFE0]  }
0x105: {  	v6 =	vor.u32 s28, v2  }
0x106: {  	v7 =	vor.u32 s28, v3;
	_ =	sdelay $0x1  }
0x107: {  	v4 =	vmul.f32 $5.656854150e+00, v4  }
0x108: {  	v5 =	vmul.f32 $5.656854150e+00, v5  }
0x109: {  	[tilespmem:v6+s23+$0x0] =	vst.idx.msk $0xffff, v4  }
0x10a: {  	[tilespmem:v7+s23+$0x0] =	vst.idx.msk $0xffff, v5  }
0x10b: {  	v4 =	vld [tilespmem:s2+$0xFFFFFFF0];
	_ =	sdelay $0x1  }
0x10c: {  	s10 =	simm.s32 $0x7  }
0x10d: {  	v6 =	vor.u32 s10, v2;
	v5 =	vld [tilespmem:s2+$0x0];
	_ =	sdelay $0x1  }
0x10e: {  	v7 =	vmul.f32 $5.656854150e+00, v4;
	v4 =	vor.u32 s10, v3;
	_ =	sdelay $0x2  }
0x10f: {  	s5 =	simm.s32 $0x8;
	v5 =	vmul.f32 $5.656854150e+00, v5;
	s10 =	smov.u32 s2;
	[tilespmem:v6+s23+$0x0] =	vst.idx.msk $0xffff, v7  }
.LBB2_12:
0x110: {  	p0 =	slt.u32 s5, $0x78  }
0x111: {  	[tilespmem:v4+s23+$0x0] =	vst.idx.msk $0xffff, v5;
	s10 =	sadd.s32 $0x100, s10;
	s13 =	smov.u32 s5;
	s5 =	sadd.s32 $0x8, s5  }
0x112: {  	v4 =	vld [tilespmem:s10+$0xFFFFFF10]  }
0x113: {  	v5 =	vld [tilespmem:s10+$0xFFFFFF20]  }
0x114: {  	v6 =	vor.u32 s13, v2  }
0x115: {  	v7 =	vor.u32 s13, v3;
	_ =	sdelay $0x1  }
0x116: {  	v4 =	vmul.f32 $5.656854150e+00, v4  }
0x117: {  	v5 =	vmul.f32 $5.656854150e+00, v5  }
0x118: {  	[tilespmem:v6+s23+$0x0] =	vst.idx.msk $0xffff, v4  }
0x119: {  	[tilespmem:v7+s23+$0x0] =	vst.idx.msk $0xffff, v5  }
0x11a: {  	v4 =	vld [tilespmem:s10+$0xFFFFFF30]  }
0x11b: {  	s28 =	sadd.s32 $0x1, s13;
	v5 =	vld [tilespmem:s10+$0xFFFFFF40]  }
0x11c: {  	v6 =	vor.u32 s28, v2  }
0x11d: {  	v7 =	vor.u32 s28, v3;
	_ =	sdelay $0x1  }
0x11e: {  	v4 =	vmul.f32 $5.656854150e+00, v4  }
0x11f: {  	v5 =	vmul.f32 $5.656854150e+00, v5  }
0x120: {  	[tilespmem:v6+s23+$0x0] =	vst.idx.msk $0xffff, v4  }
0x121: {  	[tilespmem:v7+s23+$0x0] =	vst.idx.msk $0xffff, v5  }
0x122: {  	v4 =	vld [tilespmem:s10+$0xFFFFFF50]  }
0x123: {  	s28 =	sadd.s32 $0x2, s13;
	v5 =	vld [tilespmem:s10+$0xFFFFFF60]  }
0x124: {  	v6 =	vor.u32 s28, v2  }
0x125: {  	v7 =	vor.u32 s28, v3;
	_ =	sdelay $0x1  }
0x126: {  	v4 =	vmul.f32 $5.656854150e+00, v4  }
0x127: {  	v5 =	vmul.f32 $5.656854150e+00, v5  }
0x128: {  	[tilespmem:v6+s23+$0x0] =	vst.idx.msk $0xffff, v4  }
0x129: {  	[tilespmem:v7+s23+$0x0] =	vst.idx.msk $0xffff, v5  }
0x12a: {  	v4 =	vld [tilespmem:s10+$0xFFFFFF70]  }
0x12b: {  	s28 =	sadd.s32 $0x3, s13;
	v5 =	vld [tilespmem:s10+$0xFFFFFF80]  }
0x12c: {  	v6 =	vor.u32 s28, v2  }
0x12d: {  	v7 =	vor.u32 s28, v3;
	_ =	sdelay $0x1  }
0x12e: {  	v4 =	vmul.f32 $5.656854150e+00, v4  }
0x12f: {  	v5 =	vmul.f32 $5.656854150e+00, v5  }
0x130: {  	[tilespmem:v6+s23+$0x0] =	vst.idx.msk $0xffff, v4  }
0x131: {  	[tilespmem:v7+s23+$0x0] =	vst.idx.msk $0xffff, v5  }
0x132: {  	v4 =	vld [tilespmem:s10+$0xFFFFFF90]  }
0x133: {  	s28 =	sadd.s32 $0x4, s13;
	v5 =	vld [tilespmem:s10+$0xFFFFFFA0]  }
0x134: {  	v6 =	vor.u32 s28, v2  }
0x135: {  	v7 =	vor.u32 s28, v3;
	_ =	sdelay $0x1  }
0x136: {  	v4 =	vmul.f32 $5.656854150e+00, v4  }
0x137: {  	v5 =	vmul.f32 $5.656854150e+00, v5  }
0x138: {  	[tilespmem:v6+s23+$0x0] =	vst.idx.msk $0xffff, v4  }
0x139: {  	[tilespmem:v7+s23+$0x0] =	vst.idx.msk $0xffff, v5  }
0x13a: {  	v4 =	vld [tilespmem:s10+$0xFFFFFFB0]  }
0x13b: {  	s28 =	sadd.s32 $0x5, s13;
	v5 =	vld [tilespmem:s10+$0xFFFFFFC0]  }
0x13c: {  	v6 =	vor.u32 s28, v2  }
0x13d: {  	v7 =	vor.u32 s28, v3;
	_ =	sdelay $0x1  }
0x13e: {  	v4 =	vmul.f32 $5.656854150e+00, v4  }
0x13f: {  	v5 =	vmul.f32 $5.656854150e+00, v5  }
0x140: {  	[tilespmem:v6+s23+$0x0] =	vst.idx.msk $0xffff, v4  }
0x141: {  	[tilespmem:v7+s23+$0x0] =	vst.idx.msk $0xffff, v5  }
0x142: {  	v4 =	vld [tilespmem:s10+$0xFFFFFFD0]  }
0x143: {  	s28 =	sadd.s32 $0x6, s13;
	v5 =	vld [tilespmem:s10+$0xFFFFFFE0]  }
0x144: {  	v6 =	vor.u32 s28, v2  }
0x145: {  	v7 =	vor.u32 s28, v3;
	_ =	sdelay $0x1  }
0x146: {  	v4 =	vmul.f32 $5.656854150e+00, v4  }
0x147: {  	v5 =	vmul.f32 $5.656854150e+00, v5  }
0x148: {  	[tilespmem:v6+s23+$0x0] =	vst.idx.msk $0xffff, v4  }
0x149: {  	[tilespmem:v7+s23+$0x0] =	vst.idx.msk $0xffff, v5  }
0x14a: {  	v5 =	vld [tilespmem:s10+$0xFFFFFFF0]  }
0x14b: {  	s13 =	sadd.s32 $0x7, s13;
	v6 =	vld [tilespmem:s10+$0x0]  }
0x14c: {  	v7 =	vor.u32 s13, v2  }
.Ltmp5:
0x14d: {  	v4 =	vor.u32 s13, v3;
	(pc) =	sbr.rel @p0 .LBB2_12-.Ltmp5, $4  }
0x14e: {  	_ = 	snop  }
0x14f: {  	v8 =	vmul.f32 $5.656854150e+00, v5  }
0x150: {  	v5 =	vmul.f32 $5.656854150e+00, v6  }
0x151: {  	[tilespmem:v7+s23+$0x0] =	vst.idx.msk $0xffff, v8  }
0x152: {  	s12 =	sadd.s32 $0x1, s12  }
0x153: {  	p0 =	sne.s32 s12, $0x4  }
.Ltmp6:
0x154: {  	_ = 	snop;
	(pc) =	sbr.rel @p0 .LBB2_11-.Ltmp6, $2  }
0x155: {  	_ =	sdelay $0x2  }
0x156: {  	[tilespmem:v4+s23+$0x0] =	vst.idx.msk $0xffff, v5;
	s2 =	sadd.s32 $0x1000, s2  }
0x157: {  	s0 =	sshll.u32 s31, $0x13  }
0x158: {  	s0 =	sor.u32 s6, s0  }
0x159: {  	s0 =	sshrl.u32 s0, $0x3  }
0x15a: {  	s30 =	sadd.s32 $0x1, s30;
	s2 =	sadd.s32 s1, s0  }
0x15b: {  	[hbm4b:s2+s3] =	stream.linear.scatter [tilespmem:s23], [sflag:$0x5], $0x1000, $0x38;
	[tilespmem:$0x16400] =	vst v63  }
0x15c: {  	p0 =	sne.s32 s30, $0x19;
	s28 =	sadd.s32 s0, s7  }
0x15d: {  	[hbm4b:s28+s3] =	stream.linear.scatter [tilespmem:s24], [sflag:$0x5], $0x1000, $0x38;
	[tilespmem:$0x16400] =	vst v63  }
.Ltmp7:
0x15e: {  	_ = 	snop;
	(pc) =	sbr.rel @p0 .LBB2_2-.Ltmp7, $4  }
0x15f: {  	s31 =	sadd.s32 s0, s8  }
0x160: {  	[hbm4b:s31+s3] =	stream.linear.scatter [tilespmem:s25], [sflag:$0x5], $0x1000, $0x38;
	[tilespmem:$0x16400] =	vst v63  }
0x161: {  	s0 =	sadd.s32 s0, s9  }
0x162: {  	[hbm4b:s0+s3] =	stream.linear.scatter [tilespmem:s26], [sflag:$0x5], $0x1000, $0x38;
	[tilespmem:$0x16400] =	vst v63  }
0x163: {  	s0 =	simm.s32 $0x4  }
0x164: {  	_ =	swait.ge [sflag:s0], $0x1000  }
0x165: {  	[sflag:s0] =	ssyncset.done $0x0  }
0x166: {  	[sflag:s0] =	ssyncadd.s32 $0xFFFFF000  }
0x167: {  	_ =	swait.ge [sflag:s0], $0x1000  }
0x168: {  	[sflag:s0] =	ssyncset.done $0x0  }
0x169: {  	[sflag:s0] =	ssyncadd.s32 $0xFFFFF000  }
0x16a: {  	_ =	swait.ge [sflag:s0], $0x1000  }
0x16b: {  	[sflag:s0] =	ssyncset.done $0x0  }
0x16c: {  	[sflag:s0] =	ssyncadd.s32 $0xFFFFF000  }
0x16d: {  	_ =	swait.ge [sflag:s0], $0x1000  }
0x16e: {  	[sflag:s0] =	ssyncset.done $0x0  }
0x16f: {  	[sflag:s0] =	ssyncadd.s32 $0xFFFFF000  }
0x170: {  	_ =	swait.ge [sflag:s22], $0x1000  }
0x171: {  	[sflag:s22] =	ssyncset.done $0x0  }
0x172: {  	[sflag:s22] =	ssyncadd.s32 $0xFFFFF000  }
0x173: {  	_ =	swait.ge [sflag:s22], $0x1000  }
0x174: {  	[sflag:s22] =	ssyncset.done $0x0  }
0x175: {  	[sflag:s22] =	ssyncadd.s32 $0xFFFFF000  }
0x176: {  	_ =	swait.ge [sflag:s22], $0x1000  }
0x177: {  	[sflag:s22] =	ssyncset.done $0x0  }
0x178: {  	[sflag:s22] =	ssyncadd.s32 $0xFFFFF000  }
0x179: {  	_ =	swait.ge [sflag:s22], $0x1000  }
0x17a: {  	s29 =	sadd.s32 $0x1, s29;
	s31 =	rddreg [dreg:$0x4]  }
0x17b: {  	p0 =	sne.s32 s29, s31  }
.Ltmp8:
0x17c: {  	_ = 	snop;
	(pc) =	sbr.rel @p0 .LBB2_1-.Ltmp8, $3  }
0x17d: {  	_ =	sdelay $0x1  }
0x17e: {  	[sflag:s22] =	ssyncset.done $0x0  }
0x17f: {  	[sflag:s22] =	ssyncadd.s32 $0xFFFFF000  }
0x180: {  	_ =	sfence.sel $0x180000  }
0x181: {  	[bflag:$0x0] =	sbarrier.arrive $0xFFFF  }
0x182: {  	_ =	strace $0x90000047  }
0x183: {  	s0 =	stileid.u32;
	[bflag:$0x2] =	sbarrier.arrive $0xFFFF  }
0x184: {  	p0 =	sne.s32 s0, $0x0;
	s0 =	rddreg [dreg:$0x2]  }
0x185: {  	s0 =	sadd.s32 @!p0 $0x100000, s0  }
0x186: {  	[sflag:s0] =	ssyncadd.tile.s32 @!p0 $0x1;
	_ =	shalt  }
.Lfunc_end2:
_tile_overlayer_lowered:
.L_overlay_start_2:
0x187: {  	(tag) =	ssettag $0x2  }
0x188: {  	s0 =	rddreg [dreg:$0x0];
	s2 =	stileid.u32  }
0x189: {  	s1 =	rddreg [dreg:$0x1];
	p0 =	sne.s32 s2, $0x0  }
0x18a: {  	s3 =	rddreg [dreg:$0x2];
	[bflag:$0x3] =	sbarrier.arrive $0xFFFF;
	s2 =	simm.s32 @!p0 $0x1C06  }
0x18b: {  	[timem:s3], [sflag:s2] =	dma.local @!p0 [hbm:s0], s1  }
0x18c: {  	s0 =	simm.s32 @!p0 $0x6  }
0x18d: {  	_ =	swait.ge @!p0 [sflag:s0], s1  }
0x18e: {  	s1 =	ssub.s32 @!p0 $0x0, s1;
	[sflag:s0] =	ssyncset.done @!p0 $0x0  }
0x18f: {  	[sflag:s0] =	ssyncadd.s32 @!p0 s1  }
0x190: {  	[bflag:$0x3] =	sbarrier.arrive $0xFFFF  }
0x191: {  	_ =	shalt  }

</sc_bundles>
